<compile_context>
chip_gen: v7x
topology: tpu7x:2x2x1
jax: 0.10.2.dev20260603
libtpu: 0.0.44.dev20260713+nightly
codegen_flags: <defaults>
</compile_context>

<pallas_src>
import functools

import jax
import jax.numpy as jnp
from jax import lax
from jax.experimental import pallas as pl
from jax.experimental.pallas import tpu as pltpu
from jax.experimental.pallas import tpu_sc as plsc

T = 204800
H = T // 2
VOCAB = 1000000
D = 64
G = 96
RPG = 128
NC, NS = 2, 16
NW = NC * NS
TPW = T // NW
GPW = TPW // RPG
NBUF = 10
OUTER = GPW // NBUF

_VC = 2048
_VGRID = -(-VOCAB // _VC)
_NPACK = _VGRID * (_VC // 2)


def _pack_body(a_ref, o_ref):
    tr = a_ref[...].T
    o_ref[...] = jnp.concatenate([tr[: _VC // 2], tr[_VC // 2 :]], axis=1)


_tc_pack = pl.pallas_call(
    _pack_body,
    grid=(_VGRID,),
    in_specs=[pl.BlockSpec((D, _VC), lambda i: (0, i))],
    out_specs=pl.BlockSpec((_VC // 2, 2 * D), lambda i: (i, 0)),
    out_shape=jax.ShapeDtypeStruct((_NPACK, 2 * D), jnp.float32),
)


_sc_mesh = plsc.VectorSubcoreMesh(
    core_axis_name="c", subcore_axis_name="s", num_cores=NC, num_subcores=NS
)


@functools.partial(
    pl.kernel,
    out_type=jax.ShapeDtypeStruct((H, RPG), jnp.float32),
    mesh=_sc_mesh,
    compiler_params=pltpu.CompilerParams(use_tc_tiling_on_sc=False),
    scratch_types=[
        pltpu.VMEM((TPW,), jnp.int32),
        pltpu.VMEM((NBUF, RPG, D), jnp.float32),
        pltpu.SemaphoreType.DMA,
        pltpu.SemaphoreType.DMA,
    ],
)
def _sc_gather(idx_hbm, table_hbm, out_hbm, idx_v, rows_v, gsem, wsem):
    wid = lax.axis_index("s") * NC + lax.axis_index("c")
    half = wid // NS
    m0 = (wid % NS) * TPW
    col0 = half * D
    pltpu.sync_copy(idx_hbm.at[pl.ds(wid * TPW, TPW)], idx_v)

    def outer(o, _):
        jbase = o * NBUF
        gds = []
        for b in range(NBUF):
            ids = idx_v.at[pl.ds((jbase + b) * RPG, RPG)]
            gds.append(pltpu.async_copy(table_hbm.at[ids], rows_v.at[b], gsem))
        wds = []
        for b in range(NBUF):
            gds[b].wait()
            row0 = pl.multiple_of(m0 + (jbase + b) * RPG, RPG)
            wds.append(
                pltpu.async_copy(
                    rows_v.at[b], out_hbm.at[pl.ds(row0, RPG), pl.ds(col0, D)], wsem
                )
            )
        for b in range(NBUF):
            wds[b].wait()
        return _

    lax.fori_loop(0, OUTER, outer, None)


_TB = 2048
_NB = H // _TB


def _tc_body(g_ref, gz_ref, w_ref, b1_ref, b2_ref, o_ref):
    h = pl.program_id(1)
    blk = g_ref[...]
    g = jnp.where(h == 0, blk[:, :D], blk[:, D:])
    mm = lax.dot_general(
        w_ref[...], gz_ref[...], (((1,), (0,)), ((), ())),
        preferred_element_type=jnp.float32,
    )
    o_ref[...] = 2.0 * g.T + mm + b1_ref[...] + b2_ref[...]


_tc_fused = pl.pallas_call(
    _tc_body,
    grid=(_NB, 2),
    in_specs=[
        pl.BlockSpec((_TB, RPG), lambda i, h: (i, 0)),
        pl.BlockSpec((G, _TB), lambda i, h: (0, h * _NB + i)),
        pl.BlockSpec((D, G), lambda i, h: (0, 0)),
        pl.BlockSpec((D, 1), lambda i, h: (0, 0)),
        pl.BlockSpec((D, 1), lambda i, h: (0, 0)),
    ],
    out_specs=pl.BlockSpec((D, _TB), lambda i, h: (0, h * _NB + i)),
    out_shape=jax.ShapeDtypeStruct((D, T), jnp.float32),
)


def kernel(sentence_data, sentence_batch_sizes, gazetteers_data, word_table, W1, b1, W2, b2):
    wt128 = _tc_pack(word_table.T)
    wt64 = wt128.reshape(2 * _NPACK, D)
    packed_row = ((sentence_data >> 11) << 10) | (sentence_data & 1023)
    ids = (packed_row << 1) | ((sentence_data >> 10) & 1)
    gathered = _sc_gather(ids, wt64)
    wc = jnp.concatenate([W1, W2], axis=1)
    gazT = gazetteers_data.T
    out_fm = _tc_fused(
        gathered, gazT, wc, b1.reshape(D, 1), b2.reshape(D, 1)
    )
    return (out_fm.T, sentence_batch_sizes)

# --- scband reference (transcript-rebuilt; emitter-appended) ---
"""Pipeline reference for scband-embedding-23948737642759 (READ-ONLY COPY).

The authoritative reference and input builder live on the scoring server;
editing this copy changes nothing except your own understanding.
"""

import jax, jax.numpy as jnp
import numpy as np

VOCAB = 1000000
EMBED_DIM = 64
TOTAL_TOKENS = 204800
GAZ_LENS = [64, 32]
GAZ_TOTAL = sum(GAZ_LENS)


def setup_inputs(seed: int = 0) -> dict:
    key = jax.random.key(seed)
    k1, k2, k3, k4, k5 = jax.random.split(key, 5)
    sentence_data = jax.random.randint(k1, (TOTAL_TOKENS,), 0, VOCAB, dtype=jnp.int32)
    sentence_batch_sizes = jnp.full((200,), 1024, dtype=jnp.int32)
    gazetteers_data = jax.random.uniform(k2, (TOTAL_TOKENS, GAZ_TOTAL), dtype=jnp.float32)
    word_table = jax.random.normal(k3, (VOCAB, EMBED_DIM), dtype=jnp.float32) * 0.02
    W1 = jax.random.normal(k4, (EMBED_DIM, GAZ_LENS[0]), dtype=jnp.float32) * 0.05
    b1 = jnp.zeros((EMBED_DIM,), dtype=jnp.float32)
    W2 = jax.random.normal(k5, (EMBED_DIM, GAZ_LENS[1]), dtype=jnp.float32) * 0.05
    b2 = jnp.zeros((EMBED_DIM,), dtype=jnp.float32)
    return {
        "sentence_data": sentence_data,
        "sentence_batch_sizes": sentence_batch_sizes,
        "gazetteers_data": gazetteers_data,
        "word_table": word_table,
        "W1": W1,
        "b1": b1,
        "W2": W2,
        "b2": b2,
    }


def reference(sentence_data, sentence_batch_sizes, gazetteers_data, word_table, W1, b1, W2, b2):
    # word_emb = self.word_embedding(sentence)  (packed data gather)
    word_emb = jnp.take(word_table, sentence_data, axis=0)  # [T, D]
    # per-gazetteer Linear over its slice of the concatenated gazetteer features
    starts = [0]
    for L in GAZ_LENS[:-1]:
        starts.append(starts[-1] + L)
    outputs = []
    Ws = [W1, W2]
    bs = [b1, b2]
    for (W, b, start, length) in zip(Ws, bs, starts, GAZ_LENS):
        sl = gazetteers_data[:, start:start + length]
        out = sl @ W.T + b  # [T, D]
        outputs.append(out[..., None])  # unsqueeze(-1) -> [T, D, 1]
    cat = jnp.concatenate([word_emb[..., None]] + outputs, axis=-1)  # [T, D, 1+n_gaz]
    output = word_emb + cat.sum(axis=-1)  # [T, D]
    # PackedSequence(output, batch_sizes)
    return (output, sentence_batch_sizes)

if __name__ == "__main__":
    import jax
    _d = setup_inputs()
    print(jax.jit(kernel)(*tuple(_d.values())))

</pallas_src>

<mosaic_0001>
#map = affine_map<(d0, d1) -> (0)>
#map1 = affine_map<(d0, d1) -> (0, 0)>
module attributes {stable_mosaic.version = 14 : i64} {
  func.func @_sc_gather(%arg0: i32, %arg1: i32, %arg2: memref<204800xi32, #tpu.memory_space<hbm>>, %arg3: memref<1001472x64xf32, #tpu.memory_space<hbm>>, %arg4: memref<102400x128xf32, #tpu.memory_space<hbm>>, %arg5: memref<6400xi32, #tpu.memory_space<vmem>>, %arg6: memref<10x128x64xf32, #tpu.memory_space<vmem>>, %arg7: memref<!tpu.dma_semaphore, #tpu.memory_space<semaphore_mem>>, %arg8: memref<!tpu.dma_semaphore, #tpu.memory_space<semaphore_mem>>) attributes {dimension_semantics = [#tpu.dimension_semantics<core_parallel>, #tpu.dimension_semantics<subcore_parallel>], iteration_bounds = array<i64: 2, 16>, scalar_prefetch = 0 : i64, scratch_operands = 4 : i64, tpu.core_type = #tpu.core_type<sc_vector_subcore>, window_params = [{transform_indices = #map}, {transform_indices = #map1}, {transform_indices = #map1}]} {
    %mul3A = arith.constant 2 : i32
    %mul3A_0 = arith.muli %arg1, %mul3A : i32
    %add3A = arith.addi %mul3A_0, %arg0 : i32
    %jit3A = arith.constant 16 : i32
    %div3A = arith.divsi %add3A, %jit3A : i32
    %sign3A = arith.constant 0 : i32
    %sign3A_1 = arith.cmpi sgt, %add3A, %sign3A : i32
    %sign3A_2 = arith.extui %sign3A_1 : i1 to i32
    %sign3A_3 = arith.constant 0 : i32
    %sign3A_4 = arith.cmpi slt, %add3A, %sign3A_3 : i32
    %sign3A_5 = arith.extui %sign3A_4 : i1 to i32
    %sign3A_6 = arith.subi %sign3A_2, %sign3A_5 : i32
    %sign3A_7 = arith.constant 0 : i32
    %sign3A_8 = arith.cmpi sgt, %jit3A, %sign3A_7 : i32
    %sign3A_9 = arith.extui %sign3A_8 : i1 to i32
    %sign3A_10 = arith.constant 0 : i32
    %sign3A_11 = arith.cmpi slt, %jit3A, %sign3A_10 : i32
    %sign3A_12 = arith.extui %sign3A_11 : i1 to i32
    %sign3A_13 = arith.subi %sign3A_9, %sign3A_12 : i32
    %ne3A = arith.cmpi ne, %sign3A_6, %sign3A_13 : i32
    %rem3A = arith.remsi %add3A, %jit3A : i32
    %ne3A_14 = arith.constant 0 : i32
    %ne3A_15 = arith.cmpi ne, %rem3A, %ne3A_14 : i32
    %and3A = arith.andi %ne3A, %ne3A_15 : i1
    %sub3A = arith.constant 1 : i32
    %sub3A_16 = arith.subi %div3A, %sub3A : i32
    %select_n3A = arith.select %and3A, %sub3A_16, %div3A : i32
    %jit3A_17 = arith.constant 16 : i32
    %eq3A = arith.constant 0 : i32
    %eq3A_18 = arith.cmpi eq, %jit3A_17, %eq3A : i32
    %jit3A_19 = arith.constant 1 : i32
    %select_n3A_20 = arith.select %eq3A_18, %jit3A_19, %jit3A_17 : i32
    %rem3A_21 = arith.remsi %add3A, %select_n3A_20 : i32
    %ne3A_22 = arith.constant 0 : i32
    %ne3A_23 = arith.cmpi ne, %rem3A_21, %ne3A_22 : i32
    %lt3A = arith.constant 0 : i32
    %lt3A_24 = arith.cmpi slt, %rem3A_21, %lt3A : i32
    %lt3A_25 = arith.constant 0 : i32
    %lt3A_26 = arith.cmpi slt, %select_n3A_20, %lt3A_25 : i32
    %ne3A_27 = arith.xori %lt3A_24, %lt3A_26 : i1
    %and3A_28 = arith.andi %ne3A_27, %ne3A_23 : i1
    %add3A_29 = arith.addi %rem3A_21, %select_n3A_20 : i32
    %select_n3A_30 = arith.select %and3A_28, %add3A_29, %rem3A_21 : i32
    %mul3A_31 = arith.constant 6400 : i32
    %mul3A_32 = arith.muli %select_n3A_30, %mul3A_31 : i32
    %mul3A_33 = arith.constant 64 : i32
    %mul3A_34 = arith.muli %select_n3A, %mul3A_33 : i32
    %mul3A_35 = arith.constant 6400 : i32
    %mul3A_36 = arith.muli %add3A, %mul3A_35 : i32
    "tpu.region"() ({
      %run_scoped3A = tpu.sem_alloc : memref<!tpu.dma_semaphore, #tpu.memory_space<semaphore_mem>>
      %dma_start3A = tpu.memref_slice %arg2[%mul3A_36] : memref<204800xi32, #tpu.memory_space<hbm>> -> memref<6400xi32, #tpu.memory_space<hbm>>
      %dma_start3A_41 = tpu.memref_slice %arg2[%mul3A_36] : memref<204800xi32, #tpu.memory_space<hbm>> -> memref<6400xi32, #tpu.memory_space<hbm>>
      tpu.enqueue_dma source(%dma_start3A_41 : memref<6400xi32, #tpu.memory_space<hbm>>) target(%arg5 : memref<6400xi32, #tpu.memory_space<vmem>>) target_semaphore(%run_scoped3A : memref<!tpu.dma_semaphore, #tpu.memory_space<semaphore_mem>>)
      %dma_wait3A = tpu.memref_slice %arg2[%mul3A_36] : memref<204800xi32, #tpu.memory_space<hbm>> -> memref<6400xi32, #tpu.memory_space<hbm>>
      %dma_wait3A_42 = tpu.memref_slice %arg2[%mul3A_36] : memref<204800xi32, #tpu.memory_space<hbm>> -> memref<6400xi32, #tpu.memory_space<hbm>>
      tpu.wait_dma2 semaphore(%run_scoped3A : memref<!tpu.dma_semaphore, #tpu.memory_space<semaphore_mem>>) src(%dma_wait3A_42 : memref<6400xi32, #tpu.memory_space<hbm>>) dst(%arg5 : memref<6400xi32, #tpu.memory_space<vmem>>)
      tpu.yield
    }) : () -> ()
    %scan3A = arith.constant 0 : i32
    %scan3A_37 = arith.constant 5 : i32
    %scan3A_38 = arith.addi %scan3A, %scan3A_37 : i32
    %scan3A_39 = arith.constant 1 : i32
    scf.for %scan3A_41 = %scan3A to %scan3A_38 step %scan3A_39  : i32 {
      %mul3A_42 = arith.constant 10 : i32
      %mul3A_43 = arith.muli %scan3A_41, %mul3A_42 : i32
      %add3A_44 = arith.constant 0 : i32
      %add3A_45 = arith.addi %mul3A_43, %add3A_44 : i32
      %mul3A_46 = arith.constant 128 : i32
      %mul3A_47 = arith.muli %add3A_45, %mul3A_46 : i32
      %dma_start3A = arith.constant 0 : i32
      %dma_start3A_48 = arith.constant 0 : i32
      %dma_start3A_49 = arith.constant 0 : i32
      %dma_start3A_50 = tpu.memref_slice %arg6[%dma_start3A, %dma_start3A_48, %dma_start3A_49] : memref<10x128x64xf32, #tpu.memory_space<vmem>> -> memref<1x128x64xf32, #tpu.memory_space<vmem>>
      %dma_start3A_51 = tpu.memref_squeeze %dma_start3A_50 : memref<1x128x64xf32, #tpu.memory_space<vmem>> -> memref<128x64xf32, #tpu.memory_space<vmem>>
      %dma_start3A_52 = tpu.memref_slice %arg5[%mul3A_47] : memref<6400xi32, #tpu.memory_space<vmem>> -> memref<128xi32, #tpu.memory_space<vmem>>
      %dma_start3A_53 = arith.constant 0 : i32
      %dma_start3A_54 = arith.constant 0 : i32
      %dma_start3A_55 = tpu.memref_slice %arg3[%dma_start3A_53, %dma_start3A_54] : memref<1001472x64xf32, #tpu.memory_space<hbm>> -> memref<1001472x64xf32, #tpu.memory_space<hbm>>
      tpu.enqueue_indirect_dma source(%dma_start3A_55 : memref<1001472x64xf32, #tpu.memory_space<hbm>>) target(%dma_start3A_51 : memref<128x64xf32, #tpu.memory_space<vmem>>) offsets(%dma_start3A_52 : memref<128xi32, #tpu.memory_space<vmem>>) semaphore(%arg7 : memref<!tpu.dma_semaphore, #tpu.memory_space<semaphore_mem>>)
      %add3A_56 = arith.constant 1 : i32
      %add3A_57 = arith.addi %mul3A_43, %add3A_56 : i32
      %mul3A_58 = arith.constant 128 : i32
      %mul3A_59 = arith.muli %add3A_57, %mul3A_58 : i32
      %dma_start3A_60 = arith.constant 1 : i32
      %dma_start3A_61 = arith.constant 0 : i32
      %dma_start3A_62 = arith.constant 0 : i32
      %dma_start3A_63 = tpu.memref_slice %arg6[%dma_start3A_60, %dma_start3A_61, %dma_start3A_62] : memref<10x128x64xf32, #tpu.memory_space<vmem>> -> memref<1x128x64xf32, #tpu.memory_space<vmem>>
      %dma_start3A_64 = tpu.memref_squeeze %dma_start3A_63 : memref<1x128x64xf32, #tpu.memory_space<vmem>> -> memref<128x64xf32, #tpu.memory_space<vmem>>
      %dma_start3A_65 = tpu.memref_slice %arg5[%mul3A_59] : memref<6400xi32, #tpu.memory_space<vmem>> -> memref<128xi32, #tpu.memory_space<vmem>>
      %dma_start3A_66 = arith.constant 0 : i32
      %dma_start3A_67 = arith.constant 0 : i32
      %dma_start3A_68 = tpu.memref_slice %arg3[%dma_start3A_66, %dma_start3A_67] : memref<1001472x64xf32, #tpu.memory_space<hbm>> -> memref<1001472x64xf32, #tpu.memory_space<hbm>>
      tpu.enqueue_indirect_dma source(%dma_start3A_68 : memref<1001472x64xf32, #tpu.memory_space<hbm>>) target(%dma_start3A_64 : memref<128x64xf32, #tpu.memory_space<vmem>>) offsets(%dma_start3A_65 : memref<128xi32, #tpu.memory_space<vmem>>) semaphore(%arg7 : memref<!tpu.dma_semaphore, #tpu.memory_space<semaphore_mem>>)
      %add3A_69 = arith.constant 2 : i32
      %add3A_70 = arith.addi %mul3A_43, %add3A_69 : i32
      %mul3A_71 = arith.constant 128 : i32
      %mul3A_72 = arith.muli %add3A_70, %mul3A_71 : i32
      %dma_start3A_73 = arith.constant 2 : i32
      %dma_start3A_74 = arith.constant 0 : i32
      %dma_start3A_75 = arith.constant 0 : i32
      %dma_start3A_76 = tpu.memref_slice %arg6[%dma_start3A_73, %dma_start3A_74, %dma_start3A_75] : memref<10x128x64xf32, #tpu.memory_space<vmem>> -> memref<1x128x64xf32, #tpu.memory_space<vmem>>
      %dma_start3A_77 = tpu.memref_squeeze %dma_start3A_76 : memref<1x128x64xf32, #tpu.memory_space<vmem>> -> memref<128x64xf32, #tpu.memory_space<vmem>>
      %dma_start3A_78 = tpu.memref_slice %arg5[%mul3A_72] : memref<6400xi32, #tpu.memory_space<vmem>> -> memref<128xi32, #tpu.memory_space<vmem>>
      %dma_start3A_79 = arith.constant 0 : i32
      %dma_start3A_80 = arith.constant 0 : i32
      %dma_start3A_81 = tpu.memref_slice %arg3[%dma_start3A_79, %dma_start3A_80] : memref<1001472x64xf32, #tpu.memory_space<hbm>> -> memref<1001472x64xf32, #tpu.memory_space<hbm>>
      tpu.enqueue_indirect_dma source(%dma_start3A_81 : memref<1001472x64xf32, #tpu.memory_space<hbm>>) target(%dma_start3A_77 : memref<128x64xf32, #tpu.memory_space<vmem>>) offsets(%dma_start3A_78 : memref<128xi32, #tpu.memory_space<vmem>>) semaphore(%arg7 : memref<!tpu.dma_semaphore, #tpu.memory_space<semaphore_mem>>)
      %add3A_82 = arith.constant 3 : i32
      %add3A_83 = arith.addi %mul3A_43, %add3A_82 : i32
      %mul3A_84 = arith.constant 128 : i32
      %mul3A_85 = arith.muli %add3A_83, %mul3A_84 : i32
      %dma_start3A_86 = arith.constant 3 : i32
      %dma_start3A_87 = arith.constant 0 : i32
      %dma_start3A_88 = arith.constant 0 : i32
      %dma_start3A_89 = tpu.memref_slice %arg6[%dma_start3A_86, %dma_start3A_87, %dma_start3A_88] : memref<10x128x64xf32, #tpu.memory_space<vmem>> -> memref<1x128x64xf32, #tpu.memory_space<vmem>>
      %dma_start3A_90 = tpu.memref_squeeze %dma_start3A_89 : memref<1x128x64xf32, #tpu.memory_space<vmem>> -> memref<128x64xf32, #tpu.memory_space<vmem>>
      %dma_start3A_91 = tpu.memref_slice %arg5[%mul3A_85] : memref<6400xi32, #tpu.memory_space<vmem>> -> memref<128xi32, #tpu.memory_space<vmem>>
      %dma_start3A_92 = arith.constant 0 : i32
      %dma_start3A_93 = arith.constant 0 : i32
      %dma_start3A_94 = tpu.memref_slice %arg3[%dma_start3A_92, %dma_start3A_93] : memref<1001472x64xf32, #tpu.memory_space<hbm>> -> memref<1001472x64xf32, #tpu.memory_space<hbm>>
      tpu.enqueue_indirect_dma source(%dma_start3A_94 : memref<1001472x64xf32, #tpu.memory_space<hbm>>) target(%dma_start3A_90 : memref<128x64xf32, #tpu.memory_space<vmem>>) offsets(%dma_start3A_91 : memref<128xi32, #tpu.memory_space<vmem>>) semaphore(%arg7 : memref<!tpu.dma_semaphore, #tpu.memory_space<semaphore_mem>>)
      %add3A_95 = arith.constant 4 : i32
      %add3A_96 = arith.addi %mul3A_43, %add3A_95 : i32
      %mul3A_97 = arith.constant 128 : i32
      %mul3A_98 = arith.muli %add3A_96, %mul3A_97 : i32
      %dma_start3A_99 = arith.constant 4 : i32
      %dma_start3A_100 = arith.constant 0 : i32
      %dma_start3A_101 = arith.constant 0 : i32
      %dma_start3A_102 = tpu.memref_slice %arg6[%dma_start3A_99, %dma_start3A_100, %dma_start3A_101] : memref<10x128x64xf32, #tpu.memory_space<vmem>> -> memref<1x128x64xf32, #tpu.memory_space<vmem>>
      %dma_start3A_103 = tpu.memref_squeeze %dma_start3A_102 : memref<1x128x64xf32, #tpu.memory_space<vmem>> -> memref<128x64xf32, #tpu.memory_space<vmem>>
      %dma_start3A_104 = tpu.memref_slice %arg5[%mul3A_98] : memref<6400xi32, #tpu.memory_space<vmem>> -> memref<128xi32, #tpu.memory_space<vmem>>
      %dma_start3A_105 = arith.constant 0 : i32
      %dma_start3A_106 = arith.constant 0 : i32
      %dma_start3A_107 = tpu.memref_slice %arg3[%dma_start3A_105, %dma_start3A_106] : memref<1001472x64xf32, #tpu.memory_space<hbm>> -> memref<1001472x64xf32, #tpu.memory_space<hbm>>
      tpu.enqueue_indirect_dma source(%dma_start3A_107 : memref<1001472x64xf32, #tpu.memory_space<hbm>>) target(%dma_start3A_103 : memref<128x64xf32, #tpu.memory_space<vmem>>) offsets(%dma_start3A_104 : memref<128xi32, #tpu.memory_space<vmem>>) semaphore(%arg7 : memref<!tpu.dma_semaphore, #tpu.memory_space<semaphore_mem>>)
      %add3A_108 = arith.constant 5 : i32
      %add3A_109 = arith.addi %mul3A_43, %add3A_108 : i32
      %mul3A_110 = arith.constant 128 : i32
      %mul3A_111 = arith.muli %add3A_109, %mul3A_110 : i32
      %dma_start3A_112 = arith.constant 5 : i32
      %dma_start3A_113 = arith.constant 0 : i32
      %dma_start3A_114 = arith.constant 0 : i32
      %dma_start3A_115 = tpu.memref_slice %arg6[%dma_start3A_112, %dma_start3A_113, %dma_start3A_114] : memref<10x128x64xf32, #tpu.memory_space<vmem>> -> memref<1x128x64xf32, #tpu.memory_space<vmem>>
      %dma_start3A_116 = tpu.memref_squeeze %dma_start3A_115 : memref<1x128x64xf32, #tpu.memory_space<vmem>> -> memref<128x64xf32, #tpu.memory_space<vmem>>
      %dma_start3A_117 = tpu.memref_slice %arg5[%mul3A_111] : memref<6400xi32, #tpu.memory_space<vmem>> -> memref<128xi32, #tpu.memory_space<vmem>>
      %dma_start3A_118 = arith.constant 0 : i32
      %dma_start3A_119 = arith.constant 0 : i32
      %dma_start3A_120 = tpu.memref_slice %arg3[%dma_start3A_118, %dma_start3A_119] : memref<1001472x64xf32, #tpu.memory_space<hbm>> -> memref<1001472x64xf32, #tpu.memory_space<hbm>>
      tpu.enqueue_indirect_dma source(%dma_start3A_120 : memref<1001472x64xf32, #tpu.memory_space<hbm>>) target(%dma_start3A_116 : memref<128x64xf32, #tpu.memory_space<vmem>>) offsets(%dma_start3A_117 : memref<128xi32, #tpu.memory_space<vmem>>) semaphore(%arg7 : memref<!tpu.dma_semaphore, #tpu.memory_space<semaphore_mem>>)
      %add3A_121 = arith.constant 6 : i32
      %add3A_122 = arith.addi %mul3A_43, %add3A_121 : i32
      %mul3A_123 = arith.constant 128 : i32
      %mul3A_124 = arith.muli %add3A_122, %mul3A_123 : i32
      %dma_start3A_125 = arith.constant 6 : i32
      %dma_start3A_126 = arith.constant 0 : i32
      %dma_start3A_127 = arith.constant 0 : i32
      %dma_start3A_128 = tpu.memref_slice %arg6[%dma_start3A_125, %dma_start3A_126, %dma_start3A_127] : memref<10x128x64xf32, #tpu.memory_space<vmem>> -> memref<1x128x64xf32, #tpu.memory_space<vmem>>
      %dma_start3A_129 = tpu.memref_squeeze %dma_start3A_128 : memref<1x128x64xf32, #tpu.memory_space<vmem>> -> memref<128x64xf32, #tpu.memory_space<vmem>>
      %dma_start3A_130 = tpu.memref_slice %arg5[%mul3A_124] : memref<6400xi32, #tpu.memory_space<vmem>> -> memref<128xi32, #tpu.memory_space<vmem>>
      %dma_start3A_131 = arith.constant 0 : i32
      %dma_start3A_132 = arith.constant 0 : i32
      %dma_start3A_133 = tpu.memref_slice %arg3[%dma_start3A_131, %dma_start3A_132] : memref<1001472x64xf32, #tpu.memory_space<hbm>> -> memref<1001472x64xf32, #tpu.memory_space<hbm>>
      tpu.enqueue_indirect_dma source(%dma_start3A_133 : memref<1001472x64xf32, #tpu.memory_space<hbm>>) target(%dma_start3A_129 : memref<128x64xf32, #tpu.memory_space<vmem>>) offsets(%dma_start3A_130 : memref<128xi32, #tpu.memory_space<vmem>>) semaphore(%arg7 : memref<!tpu.dma_semaphore, #tpu.memory_space<semaphore_mem>>)
      %add3A_134 = arith.constant 7 : i32
      %add3A_135 = arith.addi %mul3A_43, %add3A_134 : i32
      %mul3A_136 = arith.constant 128 : i32
      %mul3A_137 = arith.muli %add3A_135, %mul3A_136 : i32
      %dma_start3A_138 = arith.constant 7 : i32
      %dma_start3A_139 = arith.constant 0 : i32
      %dma_start3A_140 = arith.constant 0 : i32
      %dma_start3A_141 = tpu.memref_slice %arg6[%dma_start3A_138, %dma_start3A_139, %dma_start3A_140] : memref<10x128x64xf32, #tpu.memory_space<vmem>> -> memref<1x128x64xf32, #tpu.memory_space<vmem>>
      %dma_start3A_142 = tpu.memref_squeeze %dma_start3A_141 : memref<1x128x64xf32, #tpu.memory_space<vmem>> -> memref<128x64xf32, #tpu.memory_space<vmem>>
      %dma_start3A_143 = tpu.memref_slice %arg5[%mul3A_137] : memref<6400xi32, #tpu.memory_space<vmem>> -> memref<128xi32, #tpu.memory_space<vmem>>
      %dma_start3A_144 = arith.constant 0 : i32
      %dma_start3A_145 = arith.constant 0 : i32
      %dma_start3A_146 = tpu.memref_slice %arg3[%dma_start3A_144, %dma_start3A_145] : memref<1001472x64xf32, #tpu.memory_space<hbm>> -> memref<1001472x64xf32, #tpu.memory_space<hbm>>
      tpu.enqueue_indirect_dma source(%dma_start3A_146 : memref<1001472x64xf32, #tpu.memory_space<hbm>>) target(%dma_start3A_142 : memref<128x64xf32, #tpu.memory_space<vmem>>) offsets(%dma_start3A_143 : memref<128xi32, #tpu.memory_space<vmem>>) semaphore(%arg7 : memref<!tpu.dma_semaphore, #tpu.memory_space<semaphore_mem>>)
      %add3A_147 = arith.constant 8 : i32
      %add3A_148 = arith.addi %mul3A_43, %add3A_147 : i32
      %mul3A_149 = arith.constant 128 : i32
      %mul3A_150 = arith.muli %add3A_148, %mul3A_149 : i32
      %dma_start3A_151 = arith.constant 8 : i32
      %dma_start3A_152 = arith.constant 0 : i32
      %dma_start3A_153 = arith.constant 0 : i32
      %dma_start3A_154 = tpu.memref_slice %arg6[%dma_start3A_151, %dma_start3A_152, %dma_start3A_153] : memref<10x128x64xf32, #tpu.memory_space<vmem>> -> memref<1x128x64xf32, #tpu.memory_space<vmem>>
      %dma_start3A_155 = tpu.memref_squeeze %dma_start3A_154 : memref<1x128x64xf32, #tpu.memory_space<vmem>> -> memref<128x64xf32, #tpu.memory_space<vmem>>
      %dma_start3A_156 = tpu.memref_slice %arg5[%mul3A_150] : memref<6400xi32, #tpu.memory_space<vmem>> -> memref<128xi32, #tpu.memory_space<vmem>>
      %dma_start3A_157 = arith.constant 0 : i32
      %dma_start3A_158 = arith.constant 0 : i32
      %dma_start3A_159 = tpu.memref_slice %arg3[%dma_start3A_157, %dma_start3A_158] : memref<1001472x64xf32, #tpu.memory_space<hbm>> -> memref<1001472x64xf32, #tpu.memory_space<hbm>>
      tpu.enqueue_indirect_dma source(%dma_start3A_159 : memref<1001472x64xf32, #tpu.memory_space<hbm>>) target(%dma_start3A_155 : memref<128x64xf32, #tpu.memory_space<vmem>>) offsets(%dma_start3A_156 : memref<128xi32, #tpu.memory_space<vmem>>) semaphore(%arg7 : memref<!tpu.dma_semaphore, #tpu.memory_space<semaphore_mem>>)
      %add3A_160 = arith.constant 9 : i32
      %add3A_161 = arith.addi %mul3A_43, %add3A_160 : i32
      %mul3A_162 = arith.constant 128 : i32
      %mul3A_163 = arith.muli %add3A_161, %mul3A_162 : i32
      %dma_start3A_164 = arith.constant 9 : i32
      %dma_start3A_165 = arith.constant 0 : i32
      %dma_start3A_166 = arith.constant 0 : i32
      %dma_start3A_167 = tpu.memref_slice %arg6[%dma_start3A_164, %dma_start3A_165, %dma_start3A_166] : memref<10x128x64xf32, #tpu.memory_space<vmem>> -> memref<1x128x64xf32, #tpu.memory_space<vmem>>
      %dma_start3A_168 = tpu.memref_squeeze %dma_start3A_167 : memref<1x128x64xf32, #tpu.memory_space<vmem>> -> memref<128x64xf32, #tpu.memory_space<vmem>>
      %dma_start3A_169 = tpu.memref_slice %arg5[%mul3A_163] : memref<6400xi32, #tpu.memory_space<vmem>> -> memref<128xi32, #tpu.memory_space<vmem>>
      %dma_start3A_170 = arith.constant 0 : i32
      %dma_start3A_171 = arith.constant 0 : i32
      %dma_start3A_172 = tpu.memref_slice %arg3[%dma_start3A_170, %dma_start3A_171] : memref<1001472x64xf32, #tpu.memory_space<hbm>> -> memref<1001472x64xf32, #tpu.memory_space<hbm>>
      tpu.enqueue_indirect_dma source(%dma_start3A_172 : memref<1001472x64xf32, #tpu.memory_space<hbm>>) target(%dma_start3A_168 : memref<128x64xf32, #tpu.memory_space<vmem>>) offsets(%dma_start3A_169 : memref<128xi32, #tpu.memory_space<vmem>>) semaphore(%arg7 : memref<!tpu.dma_semaphore, #tpu.memory_space<semaphore_mem>>)
      %dma_wait3A = arith.constant 0 : i32
      %dma_wait3A_173 = arith.constant 0 : i32
      %dma_wait3A_174 = arith.constant 0 : i32
      %dma_wait3A_175 = tpu.memref_slice %arg6[%dma_wait3A, %dma_wait3A_173, %dma_wait3A_174] : memref<10x128x64xf32, #tpu.memory_space<vmem>> -> memref<1x128x64xf32, #tpu.memory_space<vmem>>
      %dma_wait3A_176 = tpu.memref_squeeze %dma_wait3A_175 : memref<1x128x64xf32, #tpu.memory_space<vmem>> -> memref<128x64xf32, #tpu.memory_space<vmem>>
      %dma_wait3A_177 = tpu.memref_slice %arg5[%mul3A_47] : memref<6400xi32, #tpu.memory_space<vmem>> -> memref<128xi32, #tpu.memory_space<vmem>>
      %dma_wait3A_178 = arith.constant 0 : i32
      %dma_wait3A_179 = arith.constant 0 : i32
      %dma_wait3A_180 = tpu.memref_slice %arg3[%dma_wait3A_178, %dma_wait3A_179] : memref<1001472x64xf32, #tpu.memory_space<hbm>> -> memref<1001472x64xf32, #tpu.memory_space<hbm>>
      tpu.wait_indirect_dma semaphore(%arg7 : memref<!tpu.dma_semaphore, #tpu.memory_space<semaphore_mem>>) src(%dma_wait3A_180 : memref<1001472x64xf32, #tpu.memory_space<hbm>>) dst(%dma_wait3A_176 : memref<128x64xf32, #tpu.memory_space<vmem>>)
      %add3A_181 = arith.constant 0 : i32
      %add3A_182 = arith.addi %mul3A_43, %add3A_181 : i32
      %mul3A_183 = arith.constant 128 : i32
      %mul3A_184 = arith.muli %add3A_182, %mul3A_183 : i32
      %add3A_185 = arith.addi %mul3A_32, %mul3A_184 : i32
      %multiple_of3A = tpu.assume_multiple %add3A_185, 128 : i32
      %dma_start3A_186 = arith.constant 0 : i32
      %dma_start3A_187 = arith.constant 0 : i32
      %dma_start3A_188 = arith.constant 0 : i32
      %dma_start3A_189 = tpu.memref_slice %arg6[%dma_start3A_186, %dma_start3A_187, %dma_start3A_188] : memref<10x128x64xf32, #tpu.memory_space<vmem>> -> memref<1x128x64xf32, #tpu.memory_space<vmem>>
      %dma_start3A_190 = tpu.memref_squeeze %dma_start3A_189 : memref<1x128x64xf32, #tpu.memory_space<vmem>> -> memref<128x64xf32, #tpu.memory_space<vmem>>
      %dma_start3A_191 = tpu.memref_slice %arg4[%multiple_of3A, %mul3A_34] : memref<102400x128xf32, #tpu.memory_space<hbm>> -> memref<128x64xf32, #tpu.memory_space<hbm>>
      %dma_start3A_192 = tpu.memref_slice %arg4[%multiple_of3A, %mul3A_34] : memref<102400x128xf32, #tpu.memory_space<hbm>> -> memref<128x64xf32, #tpu.memory_space<hbm>>
      %dma_start3A_193 = arith.constant 0 : i32
      %dma_start3A_194 = arith.constant 0 : i32
      %dma_start3A_195 = tpu.memref_slice %arg6[%dma_start3A_186, %dma_start3A_193, %dma_start3A_194] : memref<10x128x64xf32, #tpu.memory_space<vmem>> -> memref<1x128x64xf32, #tpu.memory_space<vmem>>
      %dma_start3A_196 = tpu.memref_squeeze %dma_start3A_195 : memref<1x128x64xf32, #tpu.memory_space<vmem>> -> memref<128x64xf32, #tpu.memory_space<vmem>>
      tpu.enqueue_dma source(%dma_start3A_196 : memref<128x64xf32, #tpu.memory_space<vmem>>) target(%dma_start3A_192 : memref<128x64xf32, #tpu.memory_space<hbm>>) target_semaphore(%arg8 : memref<!tpu.dma_semaphore, #tpu.memory_space<semaphore_mem>>)
      %dma_wait3A_197 = arith.constant 1 : i32
      %dma_wait3A_198 = arith.constant 0 : i32
      %dma_wait3A_199 = arith.constant 0 : i32
      %dma_wait3A_200 = tpu.memref_slice %arg6[%dma_wait3A_197, %dma_wait3A_198, %dma_wait3A_199] : memref<10x128x64xf32, #tpu.memory_space<vmem>> -> memref<1x128x64xf32, #tpu.memory_space<vmem>>
      %dma_wait3A_201 = tpu.memref_squeeze %dma_wait3A_200 : memref<1x128x64xf32, #tpu.memory_space<vmem>> -> memref<128x64xf32, #tpu.memory_space<vmem>>
      %dma_wait3A_202 = tpu.memref_slice %arg5[%mul3A_59] : memref<6400xi32, #tpu.memory_space<vmem>> -> memref<128xi32, #tpu.memory_space<vmem>>
      %dma_wait3A_203 = arith.constant 0 : i32
      %dma_wait3A_204 = arith.constant 0 : i32
      %dma_wait3A_205 = tpu.memref_slice %arg3[%dma_wait3A_203, %dma_wait3A_204] : memref<1001472x64xf32, #tpu.memory_space<hbm>> -> memref<1001472x64xf32, #tpu.memory_space<hbm>>
      tpu.wait_indirect_dma semaphore(%arg7 : memref<!tpu.dma_semaphore, #tpu.memory_space<semaphore_mem>>) src(%dma_wait3A_205 : memref<1001472x64xf32, #tpu.memory_space<hbm>>) dst(%dma_wait3A_201 : memref<128x64xf32, #tpu.memory_space<vmem>>)
      %add3A_206 = arith.constant 1 : i32
      %add3A_207 = arith.addi %mul3A_43, %add3A_206 : i32
      %mul3A_208 = arith.constant 128 : i32
      %mul3A_209 = arith.muli %add3A_207, %mul3A_208 : i32
      %add3A_210 = arith.addi %mul3A_32, %mul3A_209 : i32
      %multiple_of3A_211 = tpu.assume_multiple %add3A_210, 128 : i32
      %dma_start3A_212 = arith.constant 1 : i32
      %dma_start3A_213 = arith.constant 0 : i32
      %dma_start3A_214 = arith.constant 0 : i32
      %dma_start3A_215 = tpu.memref_slice %arg6[%dma_start3A_212, %dma_start3A_213, %dma_start3A_214] : memref<10x128x64xf32, #tpu.memory_space<vmem>> -> memref<1x128x64xf32, #tpu.memory_space<vmem>>
      %dma_start3A_216 = tpu.memref_squeeze %dma_start3A_215 : memref<1x128x64xf32, #tpu.memory_space<vmem>> -> memref<128x64xf32, #tpu.memory_space<vmem>>
      %dma_start3A_217 = tpu.memref_slice %arg4[%multiple_of3A_211, %mul3A_34] : memref<102400x128xf32, #tpu.memory_space<hbm>> -> memref<128x64xf32, #tpu.memory_space<hbm>>
      %dma_start3A_218 = tpu.memref_slice %arg4[%multiple_of3A_211, %mul3A_34] : memref<102400x128xf32, #tpu.memory_space<hbm>> -> memref<128x64xf32, #tpu.memory_space<hbm>>
      %dma_start3A_219 = arith.constant 0 : i32
      %dma_start3A_220 = arith.constant 0 : i32
      %dma_start3A_221 = tpu.memref_slice %arg6[%dma_start3A_212, %dma_start3A_219, %dma_start3A_220] : memref<10x128x64xf32, #tpu.memory_space<vmem>> -> memref<1x128x64xf32, #tpu.memory_space<vmem>>
      %dma_start3A_222 = tpu.memref_squeeze %dma_start3A_221 : memref<1x128x64xf32, #tpu.memory_space<vmem>> -> memref<128x64xf32, #tpu.memory_space<vmem>>
      tpu.enqueue_dma source(%dma_start3A_222 : memref<128x64xf32, #tpu.memory_space<vmem>>) target(%dma_start3A_218 : memref<128x64xf32, #tpu.memory_space<hbm>>) target_semaphore(%arg8 : memref<!tpu.dma_semaphore, #tpu.memory_space<semaphore_mem>>)
      %dma_wait3A_223 = arith.constant 2 : i32
      %dma_wait3A_224 = arith.constant 0 : i32
      %dma_wait3A_225 = arith.constant 0 : i32
      %dma_wait3A_226 = tpu.memref_slice %arg6[%dma_wait3A_223, %dma_wait3A_224, %dma_wait3A_225] : memref<10x128x64xf32, #tpu.memory_space<vmem>> -> memref<1x128x64xf32, #tpu.memory_space<vmem>>
      %dma_wait3A_227 = tpu.memref_squeeze %dma_wait3A_226 : memref<1x128x64xf32, #tpu.memory_space<vmem>> -> memref<128x64xf32, #tpu.memory_space<vmem>>
      %dma_wait3A_228 = tpu.memref_slice %arg5[%mul3A_72] : memref<6400xi32, #tpu.memory_space<vmem>> -> memref<128xi32, #tpu.memory_space<vmem>>
      %dma_wait3A_229 = arith.constant 0 : i32
      %dma_wait3A_230 = arith.constant 0 : i32
      %dma_wait3A_231 = tpu.memref_slice %arg3[%dma_wait3A_229, %dma_wait3A_230] : memref<1001472x64xf32, #tpu.memory_space<hbm>> -> memref<1001472x64xf32, #tpu.memory_space<hbm>>
      tpu.wait_indirect_dma semaphore(%arg7 : memref<!tpu.dma_semaphore, #tpu.memory_space<semaphore_mem>>) src(%dma_wait3A_231 : memref<1001472x64xf32, #tpu.memory_space<hbm>>) dst(%dma_wait3A_227 : memref<128x64xf32, #tpu.memory_space<vmem>>)
      %add3A_232 = arith.constant 2 : i32
      %add3A_233 = arith.addi %mul3A_43, %add3A_232 : i32
      %mul3A_234 = arith.constant 128 : i32
      %mul3A_235 = arith.muli %add3A_233, %mul3A_234 : i32
      %add3A_236 = arith.addi %mul3A_32, %mul3A_235 : i32
      %multiple_of3A_237 = tpu.assume_multiple %add3A_236, 128 : i32
      %dma_start3A_238 = arith.constant 2 : i32
      %dma_start3A_239 = arith.constant 0 : i32
      %dma_start3A_240 = arith.constant 0 : i32
      %dma_start3A_241 = tpu.memref_slice %arg6[%dma_start3A_238, %dma_start3A_239, %dma_start3A_240] : memref<10x128x64xf32, #tpu.memory_space<vmem>> -> memref<1x128x64xf32, #tpu.memory_space<vmem>>
      %dma_start3A_242 = tpu.memref_squeeze %dma_start3A_241 : memref<1x128x64xf32, #tpu.memory_space<vmem>> -> memref<128x64xf32, #tpu.memory_space<vmem>>
      %dma_start3A_243 = tpu.memref_slice %arg4[%multiple_of3A_237, %mul3A_34] : memref<102400x128xf32, #tpu.memory_space<hbm>> -> memref<128x64xf32, #tpu.memory_space<hbm>>
      %dma_start3A_244 = tpu.memref_slice %arg4[%multiple_of3A_237, %mul3A_34] : memref<102400x128xf32, #tpu.memory_space<hbm>> -> memref<128x64xf32, #tpu.memory_space<hbm>>
      %dma_start3A_245 = arith.constant 0 : i32
      %dma_start3A_246 = arith.constant 0 : i32
      %dma_start3A_247 = tpu.memref_slice %arg6[%dma_start3A_238, %dma_start3A_245, %dma_start3A_246] : memref<10x128x64xf32, #tpu.memory_space<vmem>> -> memref<1x128x64xf32, #tpu.memory_space<vmem>>
      %dma_start3A_248 = tpu.memref_squeeze %dma_start3A_247 : memref<1x128x64xf32, #tpu.memory_space<vmem>> -> memref<128x64xf32, #tpu.memory_space<vmem>>
      tpu.enqueue_dma source(%dma_start3A_248 : memref<128x64xf32, #tpu.memory_space<vmem>>) target(%dma_start3A_244 : memref<128x64xf32, #tpu.memory_space<hbm>>) target_semaphore(%arg8 : memref<!tpu.dma_semaphore, #tpu.memory_space<semaphore_mem>>)
      %dma_wait3A_249 = arith.constant 3 : i32
      %dma_wait3A_250 = arith.constant 0 : i32
      %dma_wait3A_251 = arith.constant 0 : i32
      %dma_wait3A_252 = tpu.memref_slice %arg6[%dma_wait3A_249, %dma_wait3A_250, %dma_wait3A_251] : memref<10x128x64xf32, #tpu.memory_space<vmem>> -> memref<1x128x64xf32, #tpu.memory_space<vmem>>
      %dma_wait3A_253 = tpu.memref_squeeze %dma_wait3A_252 : memref<1x128x64xf32, #tpu.memory_space<vmem>> -> memref<128x64xf32, #tpu.memory_space<vmem>>
      %dma_wait3A_254 = tpu.memref_slice %arg5[%mul3A_85] : memref<6400xi32, #tpu.memory_space<vmem>> -> memref<128xi32, #tpu.memory_space<vmem>>
      %dma_wait3A_255 = arith.constant 0 : i32
      %dma_wait3A_256 = arith.constant 0 : i32
      %dma_wait3A_257 = tpu.memref_slice %arg3[%dma_wait3A_255, %dma_wait3A_256] : memref<1001472x64xf32, #tpu.memory_space<hbm>> -> memref<1001472x64xf32, #tpu.memory_space<hbm>>
      tpu.wait_indirect_dma semaphore(%arg7 : memref<!tpu.dma_semaphore, #tpu.memory_space<semaphore_mem>>) src(%dma_wait3A_257 : memref<1001472x64xf32, #tpu.memory_space<hbm>>) dst(%dma_wait3A_253 : memref<128x64xf32, #tpu.memory_space<vmem>>)
      %add3A_258 = arith.constant 3 : i32
      %add3A_259 = arith.addi %mul3A_43, %add3A_258 : i32
      %mul3A_260 = arith.constant 128 : i32
      %mul3A_261 = arith.muli %add3A_259, %mul3A_260 : i32
      %add3A_262 = arith.addi %mul3A_32, %mul3A_261 : i32
      %multiple_of3A_263 = tpu.assume_multiple %add3A_262, 128 : i32
      %dma_start3A_264 = arith.constant 3 : i32
      %dma_start3A_265 = arith.constant 0 : i32
      %dma_start3A_266 = arith.constant 0 : i32
      %dma_start3A_267 = tpu.memref_slice %arg6[%dma_start3A_264, %dma_start3A_265, %dma_start3A_266] : memref<10x128x64xf32, #tpu.memory_space<vmem>> -> memref<1x128x64xf32, #tpu.memory_space<vmem>>
      %dma_start3A_268 = tpu.memref_squeeze %dma_start3A_267 : memref<1x128x64xf32, #tpu.memory_space<vmem>> -> memref<128x64xf32, #tpu.memory_space<vmem>>
      %dma_start3A_269 = tpu.memref_slice %arg4[%multiple_of3A_263, %mul3A_34] : memref<102400x128xf32, #tpu.memory_space<hbm>> -> memref<128x64xf32, #tpu.memory_space<hbm>>
      %dma_start3A_270 = tpu.memref_slice %arg4[%multiple_of3A_263, %mul3A_34] : memref<102400x128xf32, #tpu.memory_space<hbm>> -> memref<128x64xf32, #tpu.memory_space<hbm>>
      %dma_start3A_271 = arith.constant 0 : i32
      %dma_start3A_272 = arith.constant 0 : i32
      %dma_start3A_273 = tpu.memref_slice %arg6[%dma_start3A_264, %dma_start3A_271, %dma_start3A_272] : memref<10x128x64xf32, #tpu.memory_space<vmem>> -> memref<1x128x64xf32, #tpu.memory_space<vmem>>
      %dma_start3A_274 = tpu.memref_squeeze %dma_start3A_273 : memref<1x128x64xf32, #tpu.memory_space<vmem>> -> memref<128x64xf32, #tpu.memory_space<vmem>>
      tpu.enqueue_dma source(%dma_start3A_274 : memref<128x64xf32, #tpu.memory_space<vmem>>) target(%dma_start3A_270 : memref<128x64xf32, #tpu.memory_space<hbm>>) target_semaphore(%arg8 : memref<!tpu.dma_semaphore, #tpu.memory_space<semaphore_mem>>)
      %dma_wait3A_275 = arith.constant 4 : i32
      %dma_wait3A_276 = arith.constant 0 : i32
      %dma_wait3A_277 = arith.constant 0 : i32
      %dma_wait3A_278 = tpu.memref_slice %arg6[%dma_wait3A_275, %dma_wait3A_276, %dma_wait3A_277] : memref<10x128x64xf32, #tpu.memory_space<vmem>> -> memref<1x128x64xf32, #tpu.memory_space<vmem>>
      %dma_wait3A_279 = tpu.memref_squeeze %dma_wait3A_278 : memref<1x128x64xf32, #tpu.memory_space<vmem>> -> memref<128x64xf32, #tpu.memory_space<vmem>>
      %dma_wait3A_280 = tpu.memref_slice %arg5[%mul3A_98] : memref<6400xi32, #tpu.memory_space<vmem>> -> memref<128xi32, #tpu.memory_space<vmem>>
      %dma_wait3A_281 = arith.constant 0 : i32
      %dma_wait3A_282 = arith.constant 0 : i32
      %dma_wait3A_283 = tpu.memref_slice %arg3[%dma_wait3A_281, %dma_wait3A_282] : memref<1001472x64xf32, #tpu.memory_space<hbm>> -> memref<1001472x64xf32, #tpu.memory_space<hbm>>
      tpu.wait_indirect_dma semaphore(%arg7 : memref<!tpu.dma_semaphore, #tpu.memory_space<semaphore_mem>>) src(%dma_wait3A_283 : memref<1001472x64xf32, #tpu.memory_space<hbm>>) dst(%dma_wait3A_279 : memref<128x64xf32, #tpu.memory_space<vmem>>)
      %add3A_284 = arith.constant 4 : i32
      %add3A_285 = arith.addi %mul3A_43, %add3A_284 : i32
      %mul3A_286 = arith.constant 128 : i32
      %mul3A_287 = arith.muli %add3A_285, %mul3A_286 : i32
      %add3A_288 = arith.addi %mul3A_32, %mul3A_287 : i32
      %multiple_of3A_289 = tpu.assume_multiple %add3A_288, 128 : i32
      %dma_start3A_290 = arith.constant 4 : i32
      %dma_start3A_291 = arith.constant 0 : i32
      %dma_start3A_292 = arith.constant 0 : i32
      %dma_start3A_293 = tpu.memref_slice %arg6[%dma_start3A_290, %dma_start3A_291, %dma_start3A_292] : memref<10x128x64xf32, #tpu.memory_space<vmem>> -> memref<1x128x64xf32, #tpu.memory_space<vmem>>
      %dma_start3A_294 = tpu.memref_squeeze %dma_start3A_293 : memref<1x128x64xf32, #tpu.memory_space<vmem>> -> memref<128x64xf32, #tpu.memory_space<vmem>>
      %dma_start3A_295 = tpu.memref_slice %arg4[%multiple_of3A_289, %mul3A_34] : memref<102400x128xf32, #tpu.memory_space<hbm>> -> memref<128x64xf32, #tpu.memory_space<hbm>>
      %dma_start3A_296 = tpu.memref_slice %arg4[%multiple_of3A_289, %mul3A_34] : memref<102400x128xf32, #tpu.memory_space<hbm>> -> memref<128x64xf32, #tpu.memory_space<hbm>>
      %dma_start3A_297 = arith.constant 0 : i32
      %dma_start3A_298 = arith.constant 0 : i32
      %dma_start3A_299 = tpu.memref_slice %arg6[%dma_start3A_290, %dma_start3A_297, %dma_start3A_298] : memref<10x128x64xf32, #tpu.memory_space<vmem>> -> memref<1x128x64xf32, #tpu.memory_space<vmem>>
      %dma_start3A_300 = tpu.memref_squeeze %dma_start3A_299 : memref<1x128x64xf32, #tpu.memory_space<vmem>> -> memref<128x64xf32, #tpu.memory_space<vmem>>
      tpu.enqueue_dma source(%dma_start3A_300 : memref<128x64xf32, #tpu.memory_space<vmem>>) target(%dma_start3A_296 : memref<128x64xf32, #tpu.memory_space<hbm>>) target_semaphore(%arg8 : memref<!tpu.dma_semaphore, #tpu.memory_space<semaphore_mem>>)
      %dma_wait3A_301 = arith.constant 5 : i32
      %dma_wait3A_302 = arith.constant 0 : i32
      %dma_wait3A_303 = arith.constant 0 : i32
      %dma_wait3A_304 = tpu.memref_slice %arg6[%dma_wait3A_301, %dma_wait3A_302, %dma_wait3A_303] : memref<10x128x64xf32, #tpu.memory_space<vmem>> -> memref<1x128x64xf32, #tpu.memory_space<vmem>>
      %dma_wait3A_305 = tpu.memref_squeeze %dma_wait3A_304 : memref<1x128x64xf32, #tpu.memory_space<vmem>> -> memref<128x64xf32, #tpu.memory_space<vmem>>
      %dma_wait3A_306 = tpu.memref_slice %arg5[%mul3A_111] : memref<6400xi32, #tpu.memory_space<vmem>> -> memref<128xi32, #tpu.memory_space<vmem>>
      %dma_wait3A_307 = arith.constant 0 : i32
      %dma_wait3A_308 = arith.constant 0 : i32
      %dma_wait3A_309 = tpu.memref_slice %arg3[%dma_wait3A_307, %dma_wait3A_308] : memref<1001472x64xf32, #tpu.memory_space<hbm>> -> memref<1001472x64xf32, #tpu.memory_space<hbm>>
      tpu.wait_indirect_dma semaphore(%arg7 : memref<!tpu.dma_semaphore, #tpu.memory_space<semaphore_mem>>) src(%dma_wait3A_309 : memref<1001472x64xf32, #tpu.memory_space<hbm>>) dst(%dma_wait3A_305 : memref<128x64xf32, #tpu.memory_space<vmem>>)
      %add3A_310 = arith.constant 5 : i32
      %add3A_311 = arith.addi %mul3A_43, %add3A_310 : i32
      %mul3A_312 = arith.constant 128 : i32
      %mul3A_313 = arith.muli %add3A_311, %mul3A_312 : i32
      %add3A_314 = arith.addi %mul3A_32, %mul3A_313 : i32
      %multiple_of3A_315 = tpu.assume_multiple %add3A_314, 128 : i32
      %dma_start3A_316 = arith.constant 5 : i32
      %dma_start3A_317 = arith.constant 0 : i32
      %dma_start3A_318 = arith.constant 0 : i32
      %dma_start3A_319 = tpu.memref_slice %arg6[%dma_start3A_316, %dma_start3A_317, %dma_start3A_318] : memref<10x128x64xf32, #tpu.memory_space<vmem>> -> memref<1x128x64xf32, #tpu.memory_space<vmem>>
      %dma_start3A_320 = tpu.memref_squeeze %dma_start3A_319 : memref<1x128x64xf32, #tpu.memory_space<vmem>> -> memref<128x64xf32, #tpu.memory_space<vmem>>
      %dma_start3A_321 = tpu.memref_slice %arg4[%multiple_of3A_315, %mul3A_34] : memref<102400x128xf32, #tpu.memory_space<hbm>> -> memref<128x64xf32, #tpu.memory_space<hbm>>
      %dma_start3A_322 = tpu.memref_slice %arg4[%multiple_of3A_315, %mul3A_34] : memref<102400x128xf32, #tpu.memory_space<hbm>> -> memref<128x64xf32, #tpu.memory_space<hbm>>
      %dma_start3A_323 = arith.constant 0 : i32
      %dma_start3A_324 = arith.constant 0 : i32
      %dma_start3A_325 = tpu.memref_slice %arg6[%dma_start3A_316, %dma_start3A_323, %dma_start3A_324] : memref<10x128x64xf32, #tpu.memory_space<vmem>> -> memref<1x128x64xf32, #tpu.memory_space<vmem>>
      %dma_start3A_326 = tpu.memref_squeeze %dma_start3A_325 : memref<1x128x64xf32, #tpu.memory_space<vmem>> -> memref<128x64xf32, #tpu.memory_space<vmem>>
      tpu.enqueue_dma source(%dma_start3A_326 : memref<128x64xf32, #tpu.memory_space<vmem>>) target(%dma_start3A_322 : memref<128x64xf32, #tpu.memory_space<hbm>>) target_semaphore(%arg8 : memref<!tpu.dma_semaphore, #tpu.memory_space<semaphore_mem>>)
      %dma_wait3A_327 = arith.constant 6 : i32
      %dma_wait3A_328 = arith.constant 0 : i32
      %dma_wait3A_329 = arith.constant 0 : i32
      %dma_wait3A_330 = tpu.memref_slice %arg6[%dma_wait3A_327, %dma_wait3A_328, %dma_wait3A_329] : memref<10x128x64xf32, #tpu.memory_space<vmem>> -> memref<1x128x64xf32, #tpu.memory_space<vmem>>
      %dma_wait3A_331 = tpu.memref_squeeze %dma_wait3A_330 : memref<1x128x64xf32, #tpu.memory_space<vmem>> -> memref<128x64xf32, #tpu.memory_space<vmem>>
      %dma_wait3A_332 = tpu.memref_slice %arg5[%mul3A_124] : memref<6400xi32, #tpu.memory_space<vmem>> -> memref<128xi32, #tpu.memory_space<vmem>>
      %dma_wait3A_333 = arith.constant 0 : i32
      %dma_wait3A_334 = arith.constant 0 : i32
      %dma_wait3A_335 = tpu.memref_slice %arg3[%dma_wait3A_333, %dma_wait3A_334] : memref<1001472x64xf32, #tpu.memory_space<hbm>> -> memref<1001472x64xf32, #tpu.memory_space<hbm>>
      tpu.wait_indirect_dma semaphore(%arg7 : memref<!tpu.dma_semaphore, #tpu.memory_space<semaphore_mem>>) src(%dma_wait3A_335 : memref<1001472x64xf32, #tpu.memory_space<hbm>>) dst(%dma_wait3A_331 : memref<128x64xf32, #tpu.memory_space<vmem>>)
      %add3A_336 = arith.constant 6 : i32
      %add3A_337 = arith.addi %mul3A_43, %add3A_336 : i32
      %mul3A_338 = arith.constant 128 : i32
      %mul3A_339 = arith.muli %add3A_337, %mul3A_338 : i32
      %add3A_340 = arith.addi %mul3A_32, %mul3A_339 : i32
      %multiple_of3A_341 = tpu.assume_multiple %add3A_340, 128 : i32
      %dma_start3A_342 = arith.constant 6 : i32
      %dma_start3A_343 = arith.constant 0 : i32
      %dma_start3A_344 = arith.constant 0 : i32
      %dma_start3A_345 = tpu.memref_slice %arg6[%dma_start3A_342, %dma_start3A_343, %dma_start3A_344] : memref<10x128x64xf32, #tpu.memory_space<vmem>> -> memref<1x128x64xf32, #tpu.memory_space<vmem>>
      %dma_start3A_346 = tpu.memref_squeeze %dma_start3A_345 : memref<1x128x64xf32, #tpu.memory_space<vmem>> -> memref<128x64xf32, #tpu.memory_space<vmem>>
      %dma_start3A_347 = tpu.memref_slice %arg4[%multiple_of3A_341, %mul3A_34] : memref<102400x128xf32, #tpu.memory_space<hbm>> -> memref<128x64xf32, #tpu.memory_space<hbm>>
      %dma_start3A_348 = tpu.memref_slice %arg4[%multiple_of3A_341, %mul3A_34] : memref<102400x128xf32, #tpu.memory_space<hbm>> -> memref<128x64xf32, #tpu.memory_space<hbm>>
      %dma_start3A_349 = arith.constant 0 : i32
      %dma_start3A_350 = arith.constant 0 : i32
      %dma_start3A_351 = tpu.memref_slice %arg6[%dma_start3A_342, %dma_start3A_349, %dma_start3A_350] : memref<10x128x64xf32, #tpu.memory_space<vmem>> -> memref<1x128x64xf32, #tpu.memory_space<vmem>>
      %dma_start3A_352 = tpu.memref_squeeze %dma_start3A_351 : memref<1x128x64xf32, #tpu.memory_space<vmem>> -> memref<128x64xf32, #tpu.memory_space<vmem>>
      tpu.enqueue_dma source(%dma_start3A_352 : memref<128x64xf32, #tpu.memory_space<vmem>>) target(%dma_start3A_348 : memref<128x64xf32, #tpu.memory_space<hbm>>) target_semaphore(%arg8 : memref<!tpu.dma_semaphore, #tpu.memory_space<semaphore_mem>>)
      %dma_wait3A_353 = arith.constant 7 : i32
      %dma_wait3A_354 = arith.constant 0 : i32
      %dma_wait3A_355 = arith.constant 0 : i32
      %dma_wait3A_356 = tpu.memref_slice %arg6[%dma_wait3A_353, %dma_wait3A_354, %dma_wait3A_355] : memref<10x128x64xf32, #tpu.memory_space<vmem>> -> memref<1x128x64xf32, #tpu.memory_space<vmem>>
      %dma_wait3A_357 = tpu.memref_squeeze %dma_wait3A_356 : memref<1x128x64xf32, #tpu.memory_space<vmem>> -> memref<128x64xf32, #tpu.memory_space<vmem>>
      %dma_wait3A_358 = tpu.memref_slice %arg5[%mul3A_137] : memref<6400xi32, #tpu.memory_space<vmem>> -> memref<128xi32, #tpu.memory_space<vmem>>
      %dma_wait3A_359 = arith.constant 0 : i32
      %dma_wait3A_360 = arith.constant 0 : i32
      %dma_wait3A_361 = tpu.memref_slice %arg3[%dma_wait3A_359, %dma_wait3A_360] : memref<1001472x64xf32, #tpu.memory_space<hbm>> -> memref<1001472x64xf32, #tpu.memory_space<hbm>>
      tpu.wait_indirect_dma semaphore(%arg7 : memref<!tpu.dma_semaphore, #tpu.memory_space<semaphore_mem>>) src(%dma_wait3A_361 : memref<1001472x64xf32, #tpu.memory_space<hbm>>) dst(%dma_wait3A_357 : memref<128x64xf32, #tpu.memory_space<vmem>>)
      %add3A_362 = arith.constant 7 : i32
      %add3A_363 = arith.addi %mul3A_43, %add3A_362 : i32
      %mul3A_364 = arith.constant 128 : i32
      %mul3A_365 = arith.muli %add3A_363, %mul3A_364 : i32
      %add3A_366 = arith.addi %mul3A_32, %mul3A_365 : i32
      %multiple_of3A_367 = tpu.assume_multiple %add3A_366, 128 : i32
      %dma_start3A_368 = arith.constant 7 : i32
      %dma_start3A_369 = arith.constant 0 : i32
      %dma_start3A_370 = arith.constant 0 : i32
      %dma_start3A_371 = tpu.memref_slice %arg6[%dma_start3A_368, %dma_start3A_369, %dma_start3A_370] : memref<10x128x64xf32, #tpu.memory_space<vmem>> -> memref<1x128x64xf32, #tpu.memory_space<vmem>>
      %dma_start3A_372 = tpu.memref_squeeze %dma_start3A_371 : memref<1x128x64xf32, #tpu.memory_space<vmem>> -> memref<128x64xf32, #tpu.memory_space<vmem>>
      %dma_start3A_373 = tpu.memref_slice %arg4[%multiple_of3A_367, %mul3A_34] : memref<102400x128xf32, #tpu.memory_space<hbm>> -> memref<128x64xf32, #tpu.memory_space<hbm>>
      %dma_start3A_374 = tpu.memref_slice %arg4[%multiple_of3A_367, %mul3A_34] : memref<102400x128xf32, #tpu.memory_space<hbm>> -> memref<128x64xf32, #tpu.memory_space<hbm>>
      %dma_start3A_375 = arith.constant 0 : i32
      %dma_start3A_376 = arith.constant 0 : i32
      %dma_start3A_377 = tpu.memref_slice %arg6[%dma_start3A_368, %dma_start3A_375, %dma_start3A_376] : memref<10x128x64xf32, #tpu.memory_space<vmem>> -> memref<1x128x64xf32, #tpu.memory_space<vmem>>
      %dma_start3A_378 = tpu.memref_squeeze %dma_start3A_377 : memref<1x128x64xf32, #tpu.memory_space<vmem>> -> memref<128x64xf32, #tpu.memory_space<vmem>>
      tpu.enqueue_dma source(%dma_start3A_378 : memref<128x64xf32, #tpu.memory_space<vmem>>) target(%dma_start3A_374 : memref<128x64xf32, #tpu.memory_space<hbm>>) target_semaphore(%arg8 : memref<!tpu.dma_semaphore, #tpu.memory_space<semaphore_mem>>)
      %dma_wait3A_379 = arith.constant 8 : i32
      %dma_wait3A_380 = arith.constant 0 : i32
      %dma_wait3A_381 = arith.constant 0 : i32
      %dma_wait3A_382 = tpu.memref_slice %arg6[%dma_wait3A_379, %dma_wait3A_380, %dma_wait3A_381] : memref<10x128x64xf32, #tpu.memory_space<vmem>> -> memref<1x128x64xf32, #tpu.memory_space<vmem>>
      %dma_wait3A_383 = tpu.memref_squeeze %dma_wait3A_382 : memref<1x128x64xf32, #tpu.memory_space<vmem>> -> memref<128x64xf32, #tpu.memory_space<vmem>>
      %dma_wait3A_384 = tpu.memref_slice %arg5[%mul3A_150] : memref<6400xi32, #tpu.memory_space<vmem>> -> memref<128xi32, #tpu.memory_space<vmem>>
      %dma_wait3A_385 = arith.constant 0 : i32
      %dma_wait3A_386 = arith.constant 0 : i32
      %dma_wait3A_387 = tpu.memref_slice %arg3[%dma_wait3A_385, %dma_wait3A_386] : memref<1001472x64xf32, #tpu.memory_space<hbm>> -> memref<1001472x64xf32, #tpu.memory_space<hbm>>
      tpu.wait_indirect_dma semaphore(%arg7 : memref<!tpu.dma_semaphore, #tpu.memory_space<semaphore_mem>>) src(%dma_wait3A_387 : memref<1001472x64xf32, #tpu.memory_space<hbm>>) dst(%dma_wait3A_383 : memref<128x64xf32, #tpu.memory_space<vmem>>)
      %add3A_388 = arith.constant 8 : i32
      %add3A_389 = arith.addi %mul3A_43, %add3A_388 : i32
      %mul3A_390 = arith.constant 128 : i32
      %mul3A_391 = arith.muli %add3A_389, %mul3A_390 : i32
      %add3A_392 = arith.addi %mul3A_32, %mul3A_391 : i32
      %multiple_of3A_393 = tpu.assume_multiple %add3A_392, 128 : i32
      %dma_start3A_394 = arith.constant 8 : i32
      %dma_start3A_395 = arith.constant 0 : i32
      %dma_start3A_396 = arith.constant 0 : i32
      %dma_start3A_397 = tpu.memref_slice %arg6[%dma_start3A_394, %dma_start3A_395, %dma_start3A_396] : memref<10x128x64xf32, #tpu.memory_space<vmem>> -> memref<1x128x64xf32, #tpu.memory_space<vmem>>
      %dma_start3A_398 = tpu.memref_squeeze %dma_start3A_397 : memref<1x128x64xf32, #tpu.memory_space<vmem>> -> memref<128x64xf32, #tpu.memory_space<vmem>>
      %dma_start3A_399 = tpu.memref_slice %arg4[%multiple_of3A_393, %mul3A_34] : memref<102400x128xf32, #tpu.memory_space<hbm>> -> memref<128x64xf32, #tpu.memory_space<hbm>>
      %dma_start3A_400 = tpu.memref_slice %arg4[%multiple_of3A_393, %mul3A_34] : memref<102400x128xf32, #tpu.memory_space<hbm>> -> memref<128x64xf32, #tpu.memory_space<hbm>>
      %dma_start3A_401 = arith.constant 0 : i32
      %dma_start3A_402 = arith.constant 0 : i32
      %dma_start3A_403 = tpu.memref_slice %arg6[%dma_start3A_394, %dma_start3A_401, %dma_start3A_402] : memref<10x128x64xf32, #tpu.memory_space<vmem>> -> memref<1x128x64xf32, #tpu.memory_space<vmem>>
      %dma_start3A_404 = tpu.memref_squeeze %dma_start3A_403 : memref<1x128x64xf32, #tpu.memory_space<vmem>> -> memref<128x64xf32, #tpu.memory_space<vmem>>
      tpu.enqueue_dma source(%dma_start3A_404 : memref<128x64xf32, #tpu.memory_space<vmem>>) target(%dma_start3A_400 : memref<128x64xf32, #tpu.memory_space<hbm>>) target_semaphore(%arg8 : memref<!tpu.dma_semaphore, #tpu.memory_space<semaphore_mem>>)
      %dma_wait3A_405 = arith.constant 9 : i32
      %dma_wait3A_406 = arith.constant 0 : i32
      %dma_wait3A_407 = arith.constant 0 : i32
      %dma_wait3A_408 = tpu.memref_slice %arg6[%dma_wait3A_405, %dma_wait3A_406, %dma_wait3A_407] : memref<10x128x64xf32, #tpu.memory_space<vmem>> -> memref<1x128x64xf32, #tpu.memory_space<vmem>>
      %dma_wait3A_409 = tpu.memref_squeeze %dma_wait3A_408 : memref<1x128x64xf32, #tpu.memory_space<vmem>> -> memref<128x64xf32, #tpu.memory_space<vmem>>
      %dma_wait3A_410 = tpu.memref_slice %arg5[%mul3A_163] : memref<6400xi32, #tpu.memory_space<vmem>> -> memref<128xi32, #tpu.memory_space<vmem>>
      %dma_wait3A_411 = arith.constant 0 : i32
      %dma_wait3A_412 = arith.constant 0 : i32
      %dma_wait3A_413 = tpu.memref_slice %arg3[%dma_wait3A_411, %dma_wait3A_412] : memref<1001472x64xf32, #tpu.memory_space<hbm>> -> memref<1001472x64xf32, #tpu.memory_space<hbm>>
      tpu.wait_indirect_dma semaphore(%arg7 : memref<!tpu.dma_semaphore, #tpu.memory_space<semaphore_mem>>) src(%dma_wait3A_413 : memref<1001472x64xf32, #tpu.memory_space<hbm>>) dst(%dma_wait3A_409 : memref<128x64xf32, #tpu.memory_space<vmem>>)
      %add3A_414 = arith.constant 9 : i32
      %add3A_415 = arith.addi %mul3A_43, %add3A_414 : i32
      %mul3A_416 = arith.constant 128 : i32
      %mul3A_417 = arith.muli %add3A_415, %mul3A_416 : i32
      %add3A_418 = arith.addi %mul3A_32, %mul3A_417 : i32
      %multiple_of3A_419 = tpu.assume_multiple %add3A_418, 128 : i32
      %dma_start3A_420 = arith.constant 9 : i32
      %dma_start3A_421 = arith.constant 0 : i32
      %dma_start3A_422 = arith.constant 0 : i32
      %dma_start3A_423 = tpu.memref_slice %arg6[%dma_start3A_420, %dma_start3A_421, %dma_start3A_422] : memref<10x128x64xf32, #tpu.memory_space<vmem>> -> memref<1x128x64xf32, #tpu.memory_space<vmem>>
      %dma_start3A_424 = tpu.memref_squeeze %dma_start3A_423 : memref<1x128x64xf32, #tpu.memory_space<vmem>> -> memref<128x64xf32, #tpu.memory_space<vmem>>
      %dma_start3A_425 = tpu.memref_slice %arg4[%multiple_of3A_419, %mul3A_34] : memref<102400x128xf32, #tpu.memory_space<hbm>> -> memref<128x64xf32, #tpu.memory_space<hbm>>
      %dma_start3A_426 = tpu.memref_slice %arg4[%multiple_of3A_419, %mul3A_34] : memref<102400x128xf32, #tpu.memory_space<hbm>> -> memref<128x64xf32, #tpu.memory_space<hbm>>
      %dma_start3A_427 = arith.constant 0 : i32
      %dma_start3A_428 = arith.constant 0 : i32
      %dma_start3A_429 = tpu.memref_slice %arg6[%dma_start3A_420, %dma_start3A_427, %dma_start3A_428] : memref<10x128x64xf32, #tpu.memory_space<vmem>> -> memref<1x128x64xf32, #tpu.memory_space<vmem>>
      %dma_start3A_430 = tpu.memref_squeeze %dma_start3A_429 : memref<1x128x64xf32, #tpu.memory_space<vmem>> -> memref<128x64xf32, #tpu.memory_space<vmem>>
      tpu.enqueue_dma source(%dma_start3A_430 : memref<128x64xf32, #tpu.memory_space<vmem>>) target(%dma_start3A_426 : memref<128x64xf32, #tpu.memory_space<hbm>>) target_semaphore(%arg8 : memref<!tpu.dma_semaphore, #tpu.memory_space<semaphore_mem>>)
      %dma_wait3A_431 = arith.constant 0 : i32
      %dma_wait3A_432 = arith.constant 0 : i32
      %dma_wait3A_433 = arith.constant 0 : i32
      %dma_wait3A_434 = tpu.memref_slice %arg6[%dma_wait3A_431, %dma_wait3A_432, %dma_wait3A_433] : memref<10x128x64xf32, #tpu.memory_space<vmem>> -> memref<1x128x64xf32, #tpu.memory_space<vmem>>
      %dma_wait3A_435 = tpu.memref_squeeze %dma_wait3A_434 : memref<1x128x64xf32, #tpu.memory_space<vmem>> -> memref<128x64xf32, #tpu.memory_space<vmem>>
      %dma_wait3A_436 = tpu.memref_slice %arg4[%multiple_of3A, %mul3A_34] : memref<102400x128xf32, #tpu.memory_space<hbm>> -> memref<128x64xf32, #tpu.memory_space<hbm>>
      %dma_wait3A_437 = tpu.memref_slice %arg4[%multiple_of3A, %mul3A_34] : memref<102400x128xf32, #tpu.memory_space<hbm>> -> memref<128x64xf32, #tpu.memory_space<hbm>>
      %dma_wait3A_438 = arith.constant 0 : i32
      %dma_wait3A_439 = arith.constant 0 : i32
      %dma_wait3A_440 = tpu.memref_slice %arg6[%dma_wait3A_431, %dma_wait3A_438, %dma_wait3A_439] : memref<10x128x64xf32, #tpu.memory_space<vmem>> -> memref<1x128x64xf32, #tpu.memory_space<vmem>>
      %dma_wait3A_441 = tpu.memref_squeeze %dma_wait3A_440 : memref<1x128x64xf32, #tpu.memory_space<vmem>> -> memref<128x64xf32, #tpu.memory_space<vmem>>
      tpu.wait_dma2 semaphore(%arg8 : memref<!tpu.dma_semaphore, #tpu.memory_space<semaphore_mem>>) src(%dma_wait3A_441 : memref<128x64xf32, #tpu.memory_space<vmem>>) dst(%dma_wait3A_437 : memref<128x64xf32, #tpu.memory_space<hbm>>)
      %dma_wait3A_442 = arith.constant 1 : i32
      %dma_wait3A_443 = arith.constant 0 : i32
      %dma_wait3A_444 = arith.constant 0 : i32
      %dma_wait3A_445 = tpu.memref_slice %arg6[%dma_wait3A_442, %dma_wait3A_443, %dma_wait3A_444] : memref<10x128x64xf32, #tpu.memory_space<vmem>> -> memref<1x128x64xf32, #tpu.memory_space<vmem>>
      %dma_wait3A_446 = tpu.memref_squeeze %dma_wait3A_445 : memref<1x128x64xf32, #tpu.memory_space<vmem>> -> memref<128x64xf32, #tpu.memory_space<vmem>>
      %dma_wait3A_447 = tpu.memref_slice %arg4[%multiple_of3A_211, %mul3A_34] : memref<102400x128xf32, #tpu.memory_space<hbm>> -> memref<128x64xf32, #tpu.memory_space<hbm>>
      %dma_wait3A_448 = tpu.memref_slice %arg4[%multiple_of3A_211, %mul3A_34] : memref<102400x128xf32, #tpu.memory_space<hbm>> -> memref<128x64xf32, #tpu.memory_space<hbm>>
      %dma_wait3A_449 = arith.constant 0 : i32
      %dma_wait3A_450 = arith.constant 0 : i32
      %dma_wait3A_451 = tpu.memref_slice %arg6[%dma_wait3A_442, %dma_wait3A_449, %dma_wait3A_450] : memref<10x128x64xf32, #tpu.memory_space<vmem>> -> memref<1x128x64xf32, #tpu.memory_space<vmem>>
      %dma_wait3A_452 = tpu.memref_squeeze %dma_wait3A_451 : memref<1x128x64xf32, #tpu.memory_space<vmem>> -> memref<128x64xf32, #tpu.memory_space<vmem>>
      tpu.wait_dma2 semaphore(%arg8 : memref<!tpu.dma_semaphore, #tpu.memory_space<semaphore_mem>>) src(%dma_wait3A_452 : memref<128x64xf32, #tpu.memory_space<vmem>>) dst(%dma_wait3A_448 : memref<128x64xf32, #tpu.memory_space<hbm>>)
      %dma_wait3A_453 = arith.constant 2 : i32
      %dma_wait3A_454 = arith.constant 0 : i32
      %dma_wait3A_455 = arith.constant 0 : i32
      %dma_wait3A_456 = tpu.memref_slice %arg6[%dma_wait3A_453, %dma_wait3A_454, %dma_wait3A_455] : memref<10x128x64xf32, #tpu.memory_space<vmem>> -> memref<1x128x64xf32, #tpu.memory_space<vmem>>
      %dma_wait3A_457 = tpu.memref_squeeze %dma_wait3A_456 : memref<1x128x64xf32, #tpu.memory_space<vmem>> -> memref<128x64xf32, #tpu.memory_space<vmem>>
      %dma_wait3A_458 = tpu.memref_slice %arg4[%multiple_of3A_237, %mul3A_34] : memref<102400x128xf32, #tpu.memory_space<hbm>> -> memref<128x64xf32, #tpu.memory_space<hbm>>
      %dma_wait3A_459 = tpu.memref_slice %arg4[%multiple_of3A_237, %mul3A_34] : memref<102400x128xf32, #tpu.memory_space<hbm>> -> memref<128x64xf32, #tpu.memory_space<hbm>>
      %dma_wait3A_460 = arith.constant 0 : i32
      %dma_wait3A_461 = arith.constant 0 : i32
      %dma_wait3A_462 = tpu.memref_slice %arg6[%dma_wait3A_453, %dma_wait3A_460, %dma_wait3A_461] : memref<10x128x64xf32, #tpu.memory_space<vmem>> -> memref<1x128x64xf32, #tpu.memory_space<vmem>>
      %dma_wait3A_463 = tpu.memref_squeeze %dma_wait3A_462 : memref<1x128x64xf32, #tpu.memory_space<vmem>> -> memref<128x64xf32, #tpu.memory_space<vmem>>
      tpu.wait_dma2 semaphore(%arg8 : memref<!tpu.dma_semaphore, #tpu.memory_space<semaphore_mem>>) src(%dma_wait3A_463 : memref<128x64xf32, #tpu.memory_space<vmem>>) dst(%dma_wait3A_459 : memref<128x64xf32, #tpu.memory_space<hbm>>)
      %dma_wait3A_464 = arith.constant 3 : i32
      %dma_wait3A_465 = arith.constant 0 : i32
      %dma_wait3A_466 = arith.constant 0 : i32
      %dma_wait3A_467 = tpu.memref_slice %arg6[%dma_wait3A_464, %dma_wait3A_465, %dma_wait3A_466] : memref<10x128x64xf32, #tpu.memory_space<vmem>> -> memref<1x128x64xf32, #tpu.memory_space<vmem>>
      %dma_wait3A_468 = tpu.memref_squeeze %dma_wait3A_467 : memref<1x128x64xf32, #tpu.memory_space<vmem>> -> memref<128x64xf32, #tpu.memory_space<vmem>>
      %dma_wait3A_469 = tpu.memref_slice %arg4[%multiple_of3A_263, %mul3A_34] : memref<102400x128xf32, #tpu.memory_space<hbm>> -> memref<128x64xf32, #tpu.memory_space<hbm>>
      %dma_wait3A_470 = tpu.memref_slice %arg4[%multiple_of3A_263, %mul3A_34] : memref<102400x128xf32, #tpu.memory_space<hbm>> -> memref<128x64xf32, #tpu.memory_space<hbm>>
      %dma_wait3A_471 = arith.constant 0 : i32
      %dma_wait3A_472 = arith.constant 0 : i32
      %dma_wait3A_473 = tpu.memref_slice %arg6[%dma_wait3A_464, %dma_wait3A_471, %dma_wait3A_472] : memref<10x128x64xf32, #tpu.memory_space<vmem>> -> memref<1x128x64xf32, #tpu.memory_space<vmem>>
      %dma_wait3A_474 = tpu.memref_squeeze %dma_wait3A_473 : memref<1x128x64xf32, #tpu.memory_space<vmem>> -> memref<128x64xf32, #tpu.memory_space<vmem>>
      tpu.wait_dma2 semaphore(%arg8 : memref<!tpu.dma_semaphore, #tpu.memory_space<semaphore_mem>>) src(%dma_wait3A_474 : memref<128x64xf32, #tpu.memory_space<vmem>>) dst(%dma_wait3A_470 : memref<128x64xf32, #tpu.memory_space<hbm>>)
      %dma_wait3A_475 = arith.constant 4 : i32
      %dma_wait3A_476 = arith.constant 0 : i32
      %dma_wait3A_477 = arith.constant 0 : i32
      %dma_wait3A_478 = tpu.memref_slice %arg6[%dma_wait3A_475, %dma_wait3A_476, %dma_wait3A_477] : memref<10x128x64xf32, #tpu.memory_space<vmem>> -> memref<1x128x64xf32, #tpu.memory_space<vmem>>
      %dma_wait3A_479 = tpu.memref_squeeze %dma_wait3A_478 : memref<1x128x64xf32, #tpu.memory_space<vmem>> -> memref<128x64xf32, #tpu.memory_space<vmem>>
      %dma_wait3A_480 = tpu.memref_slice %arg4[%multiple_of3A_289, %mul3A_34] : memref<102400x128xf32, #tpu.memory_space<hbm>> -> memref<128x64xf32, #tpu.memory_space<hbm>>
      %dma_wait3A_481 = tpu.memref_slice %arg4[%multiple_of3A_289, %mul3A_34] : memref<102400x128xf32, #tpu.memory_space<hbm>> -> memref<128x64xf32, #tpu.memory_space<hbm>>
      %dma_wait3A_482 = arith.constant 0 : i32
      %dma_wait3A_483 = arith.constant 0 : i32
      %dma_wait3A_484 = tpu.memref_slice %arg6[%dma_wait3A_475, %dma_wait3A_482, %dma_wait3A_483] : memref<10x128x64xf32, #tpu.memory_space<vmem>> -> memref<1x128x64xf32, #tpu.memory_space<vmem>>
      %dma_wait3A_485 = tpu.memref_squeeze %dma_wait3A_484 : memref<1x128x64xf32, #tpu.memory_space<vmem>> -> memref<128x64xf32, #tpu.memory_space<vmem>>
      tpu.wait_dma2 semaphore(%arg8 : memref<!tpu.dma_semaphore, #tpu.memory_space<semaphore_mem>>) src(%dma_wait3A_485 : memref<128x64xf32, #tpu.memory_space<vmem>>) dst(%dma_wait3A_481 : memref<128x64xf32, #tpu.memory_space<hbm>>)
      %dma_wait3A_486 = arith.constant 5 : i32
      %dma_wait3A_487 = arith.constant 0 : i32
      %dma_wait3A_488 = arith.constant 0 : i32
      %dma_wait3A_489 = tpu.memref_slice %arg6[%dma_wait3A_486, %dma_wait3A_487, %dma_wait3A_488] : memref<10x128x64xf32, #tpu.memory_space<vmem>> -> memref<1x128x64xf32, #tpu.memory_space<vmem>>
      %dma_wait3A_490 = tpu.memref_squeeze %dma_wait3A_489 : memref<1x128x64xf32, #tpu.memory_space<vmem>> -> memref<128x64xf32, #tpu.memory_space<vmem>>
      %dma_wait3A_491 = tpu.memref_slice %arg4[%multiple_of3A_315, %mul3A_34] : memref<102400x128xf32, #tpu.memory_space<hbm>> -> memref<128x64xf32, #tpu.memory_space<hbm>>
      %dma_wait3A_492 = tpu.memref_slice %arg4[%multiple_of3A_315, %mul3A_34] : memref<102400x128xf32, #tpu.memory_space<hbm>> -> memref<128x64xf32, #tpu.memory_space<hbm>>
      %dma_wait3A_493 = arith.constant 0 : i32
      %dma_wait3A_494 = arith.constant 0 : i32
      %dma_wait3A_495 = tpu.memref_slice %arg6[%dma_wait3A_486, %dma_wait3A_493, %dma_wait3A_494] : memref<10x128x64xf32, #tpu.memory_space<vmem>> -> memref<1x128x64xf32, #tpu.memory_space<vmem>>
      %dma_wait3A_496 = tpu.memref_squeeze %dma_wait3A_495 : memref<1x128x64xf32, #tpu.memory_space<vmem>> -> memref<128x64xf32, #tpu.memory_space<vmem>>
      tpu.wait_dma2 semaphore(%arg8 : memref<!tpu.dma_semaphore, #tpu.memory_space<semaphore_mem>>) src(%dma_wait3A_496 : memref<128x64xf32, #tpu.memory_space<vmem>>) dst(%dma_wait3A_492 : memref<128x64xf32, #tpu.memory_space<hbm>>)
      %dma_wait3A_497 = arith.constant 6 : i32
      %dma_wait3A_498 = arith.constant 0 : i32
      %dma_wait3A_499 = arith.constant 0 : i32
      %dma_wait3A_500 = tpu.memref_slice %arg6[%dma_wait3A_497, %dma_wait3A_498, %dma_wait3A_499] : memref<10x128x64xf32, #tpu.memory_space<vmem>> -> memref<1x128x64xf32, #tpu.memory_space<vmem>>
      %dma_wait3A_501 = tpu.memref_squeeze %dma_wait3A_500 : memref<1x128x64xf32, #tpu.memory_space<vmem>> -> memref<128x64xf32, #tpu.memory_space<vmem>>
      %dma_wait3A_502 = tpu.memref_slice %arg4[%multiple_of3A_341, %mul3A_34] : memref<102400x128xf32, #tpu.memory_space<hbm>> -> memref<128x64xf32, #tpu.memory_space<hbm>>
      %dma_wait3A_503 = tpu.memref_slice %arg4[%multiple_of3A_341, %mul3A_34] : memref<102400x128xf32, #tpu.memory_space<hbm>> -> memref<128x64xf32, #tpu.memory_space<hbm>>
      %dma_wait3A_504 = arith.constant 0 : i32
      %dma_wait3A_505 = arith.constant 0 : i32
      %dma_wait3A_506 = tpu.memref_slice %arg6[%dma_wait3A_497, %dma_wait3A_504, %dma_wait3A_505] : memref<10x128x64xf32, #tpu.memory_space<vmem>> -> memref<1x128x64xf32, #tpu.memory_space<vmem>>
      %dma_wait3A_507 = tpu.memref_squeeze %dma_wait3A_506 : memref<1x128x64xf32, #tpu.memory_space<vmem>> -> memref<128x64xf32, #tpu.memory_space<vmem>>
      tpu.wait_dma2 semaphore(%arg8 : memref<!tpu.dma_semaphore, #tpu.memory_space<semaphore_mem>>) src(%dma_wait3A_507 : memref<128x64xf32, #tpu.memory_space<vmem>>) dst(%dma_wait3A_503 : memref<128x64xf32, #tpu.memory_space<hbm>>)
      %dma_wait3A_508 = arith.constant 7 : i32
      %dma_wait3A_509 = arith.constant 0 : i32
      %dma_wait3A_510 = arith.constant 0 : i32
      %dma_wait3A_511 = tpu.memref_slice %arg6[%dma_wait3A_508, %dma_wait3A_509, %dma_wait3A_510] : memref<10x128x64xf32, #tpu.memory_space<vmem>> -> memref<1x128x64xf32, #tpu.memory_space<vmem>>
      %dma_wait3A_512 = tpu.memref_squeeze %dma_wait3A_511 : memref<1x128x64xf32, #tpu.memory_space<vmem>> -> memref<128x64xf32, #tpu.memory_space<vmem>>
      %dma_wait3A_513 = tpu.memref_slice %arg4[%multiple_of3A_367, %mul3A_34] : memref<102400x128xf32, #tpu.memory_space<hbm>> -> memref<128x64xf32, #tpu.memory_space<hbm>>
      %dma_wait3A_514 = tpu.memref_slice %arg4[%multiple_of3A_367, %mul3A_34] : memref<102400x128xf32, #tpu.memory_space<hbm>> -> memref<128x64xf32, #tpu.memory_space<hbm>>
      %dma_wait3A_515 = arith.constant 0 : i32
      %dma_wait3A_516 = arith.constant 0 : i32
      %dma_wait3A_517 = tpu.memref_slice %arg6[%dma_wait3A_508, %dma_wait3A_515, %dma_wait3A_516] : memref<10x128x64xf32, #tpu.memory_space<vmem>> -> memref<1x128x64xf32, #tpu.memory_space<vmem>>
      %dma_wait3A_518 = tpu.memref_squeeze %dma_wait3A_517 : memref<1x128x64xf32, #tpu.memory_space<vmem>> -> memref<128x64xf32, #tpu.memory_space<vmem>>
      tpu.wait_dma2 semaphore(%arg8 : memref<!tpu.dma_semaphore, #tpu.memory_space<semaphore_mem>>) src(%dma_wait3A_518 : memref<128x64xf32, #tpu.memory_space<vmem>>) dst(%dma_wait3A_514 : memref<128x64xf32, #tpu.memory_space<hbm>>)
      %dma_wait3A_519 = arith.constant 8 : i32
      %dma_wait3A_520 = arith.constant 0 : i32
      %dma_wait3A_521 = arith.constant 0 : i32
      %dma_wait3A_522 = tpu.memref_slice %arg6[%dma_wait3A_519, %dma_wait3A_520, %dma_wait3A_521] : memref<10x128x64xf32, #tpu.memory_space<vmem>> -> memref<1x128x64xf32, #tpu.memory_space<vmem>>
      %dma_wait3A_523 = tpu.memref_squeeze %dma_wait3A_522 : memref<1x128x64xf32, #tpu.memory_space<vmem>> -> memref<128x64xf32, #tpu.memory_space<vmem>>
      %dma_wait3A_524 = tpu.memref_slice %arg4[%multiple_of3A_393, %mul3A_34] : memref<102400x128xf32, #tpu.memory_space<hbm>> -> memref<128x64xf32, #tpu.memory_space<hbm>>
      %dma_wait3A_525 = tpu.memref_slice %arg4[%multiple_of3A_393, %mul3A_34] : memref<102400x128xf32, #tpu.memory_space<hbm>> -> memref<128x64xf32, #tpu.memory_space<hbm>>
      %dma_wait3A_526 = arith.constant 0 : i32
      %dma_wait3A_527 = arith.constant 0 : i32
      %dma_wait3A_528 = tpu.memref_slice %arg6[%dma_wait3A_519, %dma_wait3A_526, %dma_wait3A_527] : memref<10x128x64xf32, #tpu.memory_space<vmem>> -> memref<1x128x64xf32, #tpu.memory_space<vmem>>
      %dma_wait3A_529 = tpu.memref_squeeze %dma_wait3A_528 : memref<1x128x64xf32, #tpu.memory_space<vmem>> -> memref<128x64xf32, #tpu.memory_space<vmem>>
      tpu.wait_dma2 semaphore(%arg8 : memref<!tpu.dma_semaphore, #tpu.memory_space<semaphore_mem>>) src(%dma_wait3A_529 : memref<128x64xf32, #tpu.memory_space<vmem>>) dst(%dma_wait3A_525 : memref<128x64xf32, #tpu.memory_space<hbm>>)
      %dma_wait3A_530 = arith.constant 9 : i32
      %dma_wait3A_531 = arith.constant 0 : i32
      %dma_wait3A_532 = arith.constant 0 : i32
      %dma_wait3A_533 = tpu.memref_slice %arg6[%dma_wait3A_530, %dma_wait3A_531, %dma_wait3A_532] : memref<10x128x64xf32, #tpu.memory_space<vmem>> -> memref<1x128x64xf32, #tpu.memory_space<vmem>>
      %dma_wait3A_534 = tpu.memref_squeeze %dma_wait3A_533 : memref<1x128x64xf32, #tpu.memory_space<vmem>> -> memref<128x64xf32, #tpu.memory_space<vmem>>
      %dma_wait3A_535 = tpu.memref_slice %arg4[%multiple_of3A_419, %mul3A_34] : memref<102400x128xf32, #tpu.memory_space<hbm>> -> memref<128x64xf32, #tpu.memory_space<hbm>>
      %dma_wait3A_536 = tpu.memref_slice %arg4[%multiple_of3A_419, %mul3A_34] : memref<102400x128xf32, #tpu.memory_space<hbm>> -> memref<128x64xf32, #tpu.memory_space<hbm>>
      %dma_wait3A_537 = arith.constant 0 : i32
      %dma_wait3A_538 = arith.constant 0 : i32
      %dma_wait3A_539 = tpu.memref_slice %arg6[%dma_wait3A_530, %dma_wait3A_537, %dma_wait3A_538] : memref<10x128x64xf32, #tpu.memory_space<vmem>> -> memref<1x128x64xf32, #tpu.memory_space<vmem>>
      %dma_wait3A_540 = tpu.memref_squeeze %dma_wait3A_539 : memref<1x128x64xf32, #tpu.memory_space<vmem>> -> memref<128x64xf32, #tpu.memory_space<vmem>>
      tpu.wait_dma2 semaphore(%arg8 : memref<!tpu.dma_semaphore, #tpu.memory_space<semaphore_mem>>) src(%dma_wait3A_540 : memref<128x64xf32, #tpu.memory_space<vmem>>) dst(%dma_wait3A_536 : memref<128x64xf32, #tpu.memory_space<hbm>>)
    }
    %scan3A_40 = arith.constant 5 : i32
    return
  }
}

module attributes {stable_mosaic.version = 14 : i64} {
  func.func @_pack_body(%arg0: i32, %arg1: memref<64x2048xf32, #tpu.memory_space<vmem>>, %arg2: memref<1024x128xf32, #tpu.memory_space<vmem>>) attributes {dimension_semantics = [#tpu.dimension_semantics<arbitrary>], iteration_bounds = array<i64: 489>, scalar_prefetch = 0 : i64, scratch_operands = 0 : i64, tpu.core_type = #tpu.core_type<tc>, window_params = [{transform_indices = @transform_0, window_bounds = array<i64: 64, 2048>}, {transform_indices = @transform_1, window_bounds = array<i64: 1024, 128>}]} {
    %get3A = arith.constant 0 : index
    %get3A_0 = arith.constant 0 : index
    %get3A_1 = vector.load %arg1[%get3A, %get3A_0] : memref<64x2048xf32, #tpu.memory_space<vmem>>, vector<64x2048xf32>
    %transpose3A = tpu.transpose %get3A_1, [1, 0] : vector<64x2048xf32> -> vector<2048x64xf32>
    %slice3A = vector.extract_strided_slice %transpose3A {offsets = [0, 0], sizes = [1024, 64], strides = [1, 1]} : vector<2048x64xf32> to vector<1024x64xf32>
    %slice3A_2 = vector.extract_strided_slice %transpose3A {offsets = [1024, 0], sizes = [1024, 64], strides = [1, 1]} : vector<2048x64xf32> to vector<1024x64xf32>
    %concatenate3A = tpu.concatenate %slice3A, %slice3A_2 in 1 : vector<1024x64xf32>, vector<1024x64xf32> -> vector<1024x128xf32>
    %swap3A = arith.constant 0 : index
    %swap3A_3 = arith.constant 0 : index
    %swap3A_4 = vector.load %arg2[%swap3A, %swap3A_3] : memref<1024x128xf32, #tpu.memory_space<vmem>>, vector<1024x128xf32>
    tpu.vector_store %arg2[%swap3A, %swap3A_3], %concatenate3A {strides = array<i32>} : memref<1024x128xf32, #tpu.memory_space<vmem>>, vector<1024x128xf32>,
    return
  }
  func.func @transform_0(%arg0: i32) -> (i32, i32) {
    %c0_i32 = arith.constant 0 : i32
    %c0_i32_0 = arith.constant 0 : i32
    return %c0_i32, %arg0 : i32, i32
  }
  func.func @transform_1(%arg0: i32) -> (i32, i32) {
    %c0_i32 = arith.constant 0 : i32
    %c0_i32_0 = arith.constant 0 : i32
    return %arg0, %c0_i32 : i32, i32
  }
}

module attributes {stable_mosaic.version = 14 : i64} {
  func.func @_tc_body(%arg0: i32, %arg1: i32, %arg2: memref<2048x128xf32, #tpu.memory_space<vmem>>, %arg3: memref<96x2048xf32, #tpu.memory_space<vmem>>, %arg4: memref<64x96xf32, #tpu.memory_space<vmem>>, %arg5: memref<64x1xf32, #tpu.memory_space<vmem>>, %arg6: memref<64x1xf32, #tpu.memory_space<vmem>>, %arg7: memref<64x2048xf32, #tpu.memory_space<vmem>>) attributes {dimension_semantics = [#tpu.dimension_semantics<arbitrary>, #tpu.dimension_semantics<arbitrary>], iteration_bounds = array<i64: 50, 2>, scalar_prefetch = 0 : i64, scratch_operands = 0 : i64, tpu.core_type = #tpu.core_type<tc>, window_params = [{transform_indices = @transform_0, window_bounds = array<i64: 2048, 128>}, {transform_indices = @transform_1, window_bounds = array<i64: 96, 2048>}, {pipeline_mode = #tpu.pipeline_mode<synchronous>, transform_indices = @transform_2, window_bounds = array<i64: 64, 96>}, {pipeline_mode = #tpu.pipeline_mode<synchronous>, transform_indices = @transform_3, window_bounds = array<i64: 64, 1>}, {pipeline_mode = #tpu.pipeline_mode<synchronous>, transform_indices = @transform_4, window_bounds = array<i64: 64, 1>}, {transform_indices = @transform_5, window_bounds = array<i64: 64, 2048>}]} {
    %get3A = arith.constant 0 : index
    %get3A_0 = arith.constant 0 : index
    %get3A_1 = vector.load %arg2[%get3A, %get3A_0] : memref<2048x128xf32, #tpu.memory_space<vmem>>, vector<2048x128xf32>
    %eq3A = arith.constant 0 : i32
    %eq3A_2 = arith.cmpi eq, %arg1, %eq3A : i32
    %slice3A = vector.extract_strided_slice %get3A_1 {offsets = [0, 0], sizes = [2048, 64], strides = [1, 1]} : vector<2048x128xf32> to vector<2048x64xf32>
    %slice3A_3 = vector.extract_strided_slice %get3A_1 {offsets = [0, 64], sizes = [2048, 64], strides = [1, 1]} : vector<2048x128xf32> to vector<2048x64xf32>
    %select_n3A = arith.select %eq3A_2, %slice3A, %slice3A_3 : vector<2048x64xf32>
    %get3A_4 = arith.constant 0 : index
    %get3A_5 = arith.constant 0 : index
    %get3A_6 = vector.load %arg4[%get3A_4, %get3A_5] : memref<64x96xf32, #tpu.memory_space<vmem>>, vector<64x96xf32>
    %get3A_7 = arith.constant 0 : index
    %get3A_8 = arith.constant 0 : index
    %get3A_9 = vector.load %arg3[%get3A_7, %get3A_8] : memref<96x2048xf32, #tpu.memory_space<vmem>>, vector<96x2048xf32>
    %dot_general3A = arith.constant dense<0.000000e+00> : vector<64x2048xf32>
    %dot_general3A_10 = tpu.matmul %get3A_6, %get3A_9, %dot_general3A {dimension_numbers = #tpu.dot_dimension_numbers<[1], [0], [0], [1], [0, 0, 1, 1], [], []>, transpose_lhs_hint = false} : vector<64x96xf32>, vector<96x2048xf32>, vector<64x2048xf32> -> vector<64x2048xf32>
    %transpose3A = tpu.transpose %select_n3A, [1, 0] : vector<2048x64xf32> -> vector<64x2048xf32>
    %mul3A = arith.constant 2.000000e+00 : f32
    %mul3A_11 = vector.broadcast %mul3A : f32 to vector<64x2048xf32>
    %mul3A_12 = arith.mulf %mul3A_11, %transpose3A : vector<64x2048xf32>
    %add3A = arith.addf %mul3A_12, %dot_general3A_10 : vector<64x2048xf32>
    %get3A_13 = arith.constant 0 : index
    %get3A_14 = arith.constant 0 : index
    %get3A_15 = vector.load %arg5[%get3A_13, %get3A_14] : memref<64x1xf32, #tpu.memory_space<vmem>>, vector<64x1xf32>
    %add3A_16 = vector.broadcast %get3A_15 : vector<64x1xf32> to vector<64x2048xf32>
    %add3A_17 = arith.addf %add3A, %add3A_16 : vector<64x2048xf32>
    %get3A_18 = arith.constant 0 : index
    %get3A_19 = arith.constant 0 : index
    %get3A_20 = vector.load %arg6[%get3A_18, %get3A_19] : memref<64x1xf32, #tpu.memory_space<vmem>>, vector<64x1xf32>
    %add3A_21 = vector.broadcast %get3A_20 : vector<64x1xf32> to vector<64x2048xf32>
    %add3A_22 = arith.addf %add3A_17, %add3A_21 : vector<64x2048xf32>
    %swap3A = arith.constant 0 : index
    %swap3A_23 = arith.constant 0 : index
    %swap3A_24 = vector.load %arg7[%swap3A, %swap3A_23] : memref<64x2048xf32, #tpu.memory_space<vmem>>, vector<64x2048xf32>
    tpu.vector_store %arg7[%swap3A, %swap3A_23], %add3A_22 {strides = array<i32>} : memref<64x2048xf32, #tpu.memory_space<vmem>>, vector<64x2048xf32>,
    return
  }
  func.func @transform_0(%arg0: i32, %arg1: i32) -> (i32, i32) {
    %c0_i32 = arith.constant 0 : i32
    %c0_i32_0 = arith.constant 0 : i32
    return %arg0, %c0_i32 : i32, i32
  }
  func.func @transform_1(%arg0: i32, %arg1: i32) -> (i32, i32) {
    %mul3A = arith.constant 50 : i32
    %mul3A_0 = arith.muli %arg1, %mul3A : i32
    %add3A = arith.addi %mul3A_0, %arg0 : i32
    %c0_i32 = arith.constant 0 : i32
    %c0_i32_1 = arith.constant 0 : i32
    return %c0_i32, %add3A : i32, i32
  }
  func.func @transform_2(%arg0: i32, %arg1: i32) -> (i32, i32) {
    %c0_i32 = arith.constant 0 : i32
    %c0_i32_0 = arith.constant 0 : i32
    %c0_i32_1 = arith.constant 0 : i32
    return %c0_i32, %c0_i32_0 : i32, i32
  }
  func.func @transform_3(%arg0: i32, %arg1: i32) -> (i32, i32) {
    %c0_i32 = arith.constant 0 : i32
    %c0_i32_0 = arith.constant 0 : i32
    %c0_i32_1 = arith.constant 0 : i32
    return %c0_i32, %c0_i32_0 : i32, i32
  }
  func.func @transform_4(%arg0: i32, %arg1: i32) -> (i32, i32) {
    %c0_i32 = arith.constant 0 : i32
    %c0_i32_0 = arith.constant 0 : i32
    %c0_i32_1 = arith.constant 0 : i32
    return %c0_i32, %c0_i32_0 : i32, i32
  }
  func.func @transform_5(%arg0: i32, %arg1: i32) -> (i32, i32) {
    %mul3A = arith.constant 50 : i32
    %mul3A_0 = arith.muli %arg1, %mul3A : i32
    %add3A = arith.addi %mul3A_0, %arg0 : i32
    %c0_i32 = arith.constant 0 : i32
    %c0_i32_1 = arith.constant 0 : i32
    return %c0_i32, %add3A : i32, i32
  }
}

</mosaic_0001>

<sc_bundles>
// kernel: kernel.5.cloned.1.call-start
scs
__scs_entry_jumppad:
0x0: {  	(pc) =	sbr.rel $0x88, $3  }
0x1: {  	(tag) =	ssettag $0x0;
	lr =	simm.s32 $0x1  }
0x2: {  	[smem:$0x3F99] =	sst lr;
	_ =	strace $0xD0000000  }
0x3: {  	_ = 	snop  }
0x4: {  	_ = 	snop  }
0x5: {  	_ = 	snop  }
0x6: {  	_ = 	snop  }
0x7: {  	_ = 	snop  }
__scs_overlays_trampoline_lowered:
0x8: {  	[smem:$0x3FA8] =	sst s0  }
0x9: {  	[smem:$0x3FA9] =	sst s1  }
0xa: {  	[smem:$0x3FAA] =	sst s2  }
0xb: {  	[smem:$0x3FAB] =	sst s3  }
0xc: {  	[smem:$0x3FAC] =	sst s4  }
0xd: {  	[smem:$0x3FAD] =	sst s5  }
0xe: {  	[smem:$0x3FAE] =	sst s6  }
0xf: {  	[smem:$0x3FAF] =	sst s7  }
0x10: {  	[smem:$0x3FB0] =	sst s8  }
0x11: {  	[smem:$0x3FB1] =	sst s9;
	s0 =	simm.s32 @!p0 $0x0  }
0x12: {  	s1 =	sld [smem:$0x3F97];
	s0 =	simm.s32 @p0 $0x1  }
0x13: {  	[smem:$0x3FB2] =	sst s0;
	s0 =	simm.s32 @!p1 $0x0  }
0x14: {  	s2 =	sld [smem:$0x3F96];
	s0 =	simm.s32 @p1 $0x1  }
0x15: {  	[smem:$0x3FB3] =	sst s0;
	s0 =	simm.s32 @!p2 $0x0  }
0x16: {  	s3 =	sld [smem:$0x3FDB];
	s0 =	simm.s32 @p2 $0x1  }
0x17: {  	s4 =	simm.s32 $0x1BF5;
	[smem:$0x3FB5] =	sst s0  }
0x18: {  	s0 =	sld [smem:$0x3F98];
	_ =	swait.ge [sflag:s4], $0x0  }
0x19: {  	s7 =	sld [smem:$0x3F99]  }
0x1a: {  	s8 =	sadd.s32 $0xFFFFE003, lr  }
0x1b: {  	s9 =	sadd.s32 $0xFFFFFEF7, lr;
	s5 =	simm.s32 $0xFFFFFFFF;
	p2 =	slt.u32 s8, $0xFFFFF086  }
0x1c: {  	p1 =	slt.u32 s9, $0xF7A;
	s5 =	simm.s32 @!p2 $0x0  }
0x1d: {  	s5 =	simm.s32 @p1 $0x1;
	p0 =	seq.s32 s7, s2  }
0x1e: {  	s7 =	smul.u32 @!p0 $0xF7A, s2;
	p2 =	seq.s32 @!p0 s5, $0x0  }
0x1f: {  	s9 =	smul.u32 $0xF7A, s1;
	s8 =	simm.s32 @!p0 $0x1BF5;
	p2 =	por !p2, p0  }
0x20: {  	[sflag:s8] =	ssyncset.s32 @!p0 $0xFFFFF086;
	s6 =	sadd.s32 @!p0 s3, s7;
	s7 =	simm.s32 @!p0 $0x108  }
0x21: {  	s3 =	sadd.s32 s3, s9;
	s6 =	sadd.s32 @!p0 $0x88, s6;
	s7 =	simm.s32 @p2 $0x1082  }
0x22: {  	[simem:s7], [sflag:s8] =	dma.local @!p0 [hbm:s6], $0xF7A  }
0x23: {  	s9 =	sor.u32 $0xD0000000, s2;
	s6 =	simm.s32 $0x108;
	_ =	swait.ge @!p0 [sflag:s8], $0x0  }
0x24: {  	s3 =	sadd.s32 $0x88, s3;
	s6 =	simm.s32 @!p1 $0x1082;
	[sflag:s4] =	ssyncset.s32 $0xFFFFF086  }
0x25: {  	[simem:s6], [sflag:s4] =	dma.local [hbm:s3], $0xF7A  }
0x26: {  	[smem:$0x3F99] =	sst s1;
	(tag) =	ssettag s2;
	_ =	strace s9  }
0x27: {  	s1 =	sld [smem:$0x3FA9]  }
0x28: {  	s2 =	sld [smem:$0x3FAA]  }
0x29: {  	s4 =	sld [smem:$0x3FAC]  }
0x2a: {  	p0 =	seq.s32 s5, $0x0;
	s5 =	sld [smem:$0x3FAD]  }
0x2b: {  	s6 =	sld [smem:$0x3FAE]  }
0x2c: {  	s7 =	sld [smem:$0x3FAF]  }
0x2d: {  	s3 =	simm.s32 $0x108;
	s8 =	sld [smem:$0x3FB0]  }
0x2e: {  	s3 =	simm.s32 @!p0 $0x1082;
	s9 =	sld [smem:$0x3FB1]  }
0x2f: {  	lr =	sadd.s32 s0, s3;
	s0 =	sld [smem:$0x3FA8]  }
0x30: {  	s3 =	sld [smem:$0x3FAB]  }
0x31: {  	[smem:$0x3FB4] =	sst s10  }
0x32: {  	s10 =	sld [smem:$0x3FB2];
	_ =	sdelay $0x3  }
0x33: {  	p0 =	seq.s32 s10, $0x1;
	s10 =	sld [smem:$0x3FB4];
	_ =	sdelay $0x3  }
0x34: {  	[smem:$0x3FB4] =	sst s10  }
0x35: {  	s10 =	sld [smem:$0x3FB3];
	_ =	sdelay $0x3  }
0x36: {  	p1 =	seq.s32 s10, $0x1;
	s10 =	sld [smem:$0x3FB4];
	_ =	sdelay $0x3  }
0x37: {  	[smem:$0x3FB4] =	sst s10  }
0x38: {  	s10 =	sld [smem:$0x3FB5]  }
0x39: {  	_ = 	snop;
	(pc) =	sbr.ind lr, $3  }
0x3a: {  	_ = 	snop  }
0x3b: {  	_ = 	snop  }
0x3c: {  	p2 =	seq.s32 s10, $0x1;
	s10 =	sld [smem:$0x3FB4]  }
0x3d: {  	_ =	shalt  }
0x3e: {  	_ =	shalt  }
0x3f: {  	_ =	shalt  }
0x40: {  	_ =	shalt  }
0x41: {  	_ =	shalt  }
0x42: {  	_ =	shalt  }
0x43: {  	_ =	shalt  }
0x44: {  	_ =	shalt  }
0x45: {  	_ =	shalt  }
0x46: {  	_ =	shalt  }
0x47: {  	_ =	shalt  }
0x48: {  	_ =	shalt  }
0x49: {  	_ =	shalt  }
0x4a: {  	_ =	shalt  }
0x4b: {  	_ =	shalt  }
0x4c: {  	_ =	shalt  }
0x4d: {  	_ =	shalt  }
0x4e: {  	_ =	shalt  }
0x4f: {  	_ =	shalt  }
0x50: {  	_ =	shalt  }
0x51: {  	_ =	shalt  }
0x52: {  	_ =	shalt  }
0x53: {  	_ =	shalt  }
0x54: {  	_ =	shalt  }
0x55: {  	_ =	shalt  }
0x56: {  	_ =	shalt  }
0x57: {  	_ =	shalt  }
0x58: {  	_ =	shalt  }
0x59: {  	_ =	shalt  }
0x5a: {  	_ =	shalt  }
0x5b: {  	_ =	shalt  }
0x5c: {  	_ =	shalt  }
0x5d: {  	_ =	shalt  }
0x5e: {  	_ =	shalt  }
0x5f: {  	_ =	shalt  }
0x60: {  	_ =	shalt  }
0x61: {  	_ =	shalt  }
0x62: {  	_ =	shalt  }
0x63: {  	_ =	shalt  }
0x64: {  	_ =	shalt  }
0x65: {  	_ =	shalt  }
0x66: {  	_ =	shalt  }
0x67: {  	_ =	shalt  }
0x68: {  	_ =	shalt  }
0x69: {  	_ =	shalt  }
0x6a: {  	_ =	shalt  }
0x6b: {  	_ =	shalt  }
0x6c: {  	_ =	shalt  }
0x6d: {  	_ =	shalt  }
0x6e: {  	_ =	shalt  }
0x6f: {  	_ =	shalt  }
0x70: {  	_ =	shalt  }
0x71: {  	_ =	shalt  }
0x72: {  	_ =	shalt  }
0x73: {  	_ =	shalt  }
0x74: {  	_ =	shalt  }
0x75: {  	_ =	shalt  }
0x76: {  	_ =	shalt  }
0x77: {  	_ =	shalt  }
0x78: {  	_ =	shalt  }
0x79: {  	_ =	shalt  }
0x7a: {  	_ =	shalt  }
0x7b: {  	_ =	shalt  }
0x7c: {  	_ =	shalt  }
0x7d: {  	_ =	shalt  }
0x7e: {  	_ =	shalt  }
0x7f: {  	_ =	shalt  }
0x80: {  	_ =	shalt  }
0x81: {  	_ =	shalt  }
0x82: {  	_ =	shalt  }
0x83: {  	_ =	shalt  }
0x84: {  	_ =	shalt  }
0x85: {  	_ =	shalt  }
0x86: {  	_ =	shalt  }
0x87: {  	_ =	shalt  }
.Lfunc_end0:
.L_simem_size_0:
called_computation_lowered:
.L_overlay_start_0:
0x88: {  	s2 =	sld [smem:$0x3FD9]  }
0x89: {  	s3 =	sld [smem:$0x3FFE];
	_ =	sdelay $0x1  }
0x8a: {  	s1 =	srdreg.scid  }
0x8b: {  	s0 =	sand.u32 $0x1, s1  }
0x8c: {  	s14 =	sshll.u32 s0, $0xA;
	s2 =	sadd.s32 s3, s2  }
0x8d: {  	s2 =	sadd.s32 s2, s14  }
0x8e: {  	[smem:$0x3FC0] =	sst s2  }
0x8f: {  	_ = 	snop  }
0x90: {  	s2 =	sld [smem:$0x3FD0];
	_ =	sdelay $0x2  }
0x91: {  	s15 =	simm.s32 $0xA;
	s4 =	simm.s32 $0x10  }
0x92: {  	[smem:s4], [sflag:s15] =	dma.local [hbm:s2], $0x1  }
0x93: {  	_ =	swait.eq [sflag:s15], $0x1  }
0x94: {  	[sflag:s15] =	ssyncset.done $0x0  }
0x95: {  	[sflag:s15] =	ssyncadd.s32 $0xFFFFFFFF  }
0x96: {  	s16 =	sld [smem:$0x10];
	(tm) =	ssettm $0x1  }
0x97: {  	s17 =	sld [smem:$0x3FFB];
	_ =	sdelay $0x3  }
0x98: {  	_ =	strace s17  }
0x99: {  	s3 =	sld [smem:$0x3FFC];
	_ =	sdelay $0x3  }
0x9a: {  	_ =	strace s3  }
0x9b: {  	s3 =	sld [smem:$0x3FFD];
	_ =	sdelay $0x3  }
0x9c: {  	_ =	strace s3  }
0x9d: {  	_ =	strace $0x8FFFFFFF  }
0x9e: {  	s18 =	sld [smem:$0x3FDB];
	_ =	sdelay $0x1  }
0x9f: {  	s19 =	simm.s32 $_scs_section_size  }
0xa0: {  	s5 =	simm.s32 $_size__tile_overlayer_lowered;
	s6 =	simm.s32 $_tile_overlayer_lowered  }
0xa1: {  	s22 =	simm.s32 $0x1BFF;
	s21 =	sshll.u32 s6, $0x1;
	s3 =	sadd.s32 s19, s18  }
0xa2: {  	s7 =	simm.s32 $0x0;
	s20 =	sshll.u32 s5, $0x1;
	s5 =	sadd.s32 s21, s3  }
0xa3: {  	[timem:s7], [sflag:s22] =	dma.local [hbm:s5], s20  }
0xa4: {  	_ =	swait.ge [sflag:s22], s20  }
0xa5: {  	s4 =	ssub.s32 $0x0, s20;
	[sflag:s22] =	ssyncset.done $0x0  }
0xa6: {  	[sflag:s22] =	ssyncadd.s32 s4;
	_ =	sdelay $0x1  }
0xa7: {  	s23 =	simm.s32 $0x1B8B  }
0xa8: {  	_ =	swait.ge [sflag:s23], $0x1  }
0xa9: {  	[sflag:s23] =	ssyncset.done $0x0  }
0xaa: {  	s25 =	simm.s32 $0x1B8E;
	s24 =	sld [smem:$0x3FFE];
	[sflag:s23] =	ssyncadd.s32 $0xFFFFFFFF  }
0xab: {  	s26 =	simm.s32 $execute0_lowered;
	[smem:$0x3FD2] =	sst s25  }
0xac: {  	s5 =	sshll.u32 s26, $0x1;
	_ =	strace $0x80000046;
	[dreg:$0x1] =	wrdreg $0xFFFFFFFF  }
0xad: {  	s28 =	simm.s32 $_size_execute0_lowered;
	s3 =	sadd.s32 s3, s5;
	[dreg:$0x0] =	wrdreg $0x0  }
0xae: {  	s5 =	sshll.u32 s28, $0x1;
	[dreg:$0x2] =	wrdreg s3  }
0xaf: {  	[dreg:$0x3] =	wrdreg s5  }
0xb0: {  	[dreg:$0x4] =	wrdreg $0xC0  }
0xb1: {  	_ =	task [dreg:s7], $0x5FFFF  }
0xb2: {  	[dreg:$0x1] =	wrdreg $0xFFFFFFFF  }
0xb3: {  	[dreg:$0x0] =	wrdreg $0x60  }
0xb4: {  	[dreg:$0x2] =	wrdreg s16  }
0xb5: {  	[dreg:$0x3] =	wrdreg s24  }
0xb6: {  	[dreg:$0x4] =	wrdreg $0x9  }
0xb7: {  	_ =	task.clear_ibuf [dreg:s7], $0x5FFFF;
	_ =	strace $0x90000046  }
0xb8: {  	s29 =	simm.s32 $0x9;
	_ =	strace $0x80000048  }
0xb9: {  	_ =	swait.ge [sflag:s29], $0x1  }
0xba: {  	[sflag:s29] =	ssyncadd.s32 $0xFFFFFFFF  }
0xbb: {  	_ =	strace $0x90000048  }
0xbc: {  	_ =	sfence  }
0xbd: {  	s30 =	sld [smem:$0x0];
	_ =	sdelay $0x2  }
0xbe: {  	s31 =	sshll.u32 s1, $0xD;
	s1 =	sshrl.u32 s1, $0x2  }
0xbf: {  	s3 =	sand.u32 $0x4000, s31;
	s1 =	sadd.s32 s1, s30  }
0xc0: {  	s0 =	sor.u32 s3, s0;
	s1 =	sshll.u32 s1, $0x11  }
0xc1: {  	s0 =	sor.u32 s1, s0  }
0xc2: {  	s0 =	sadd.s32 $0x8F2B, s0  }
0xc3: {  	[sflag:s0] =	ssyncadd.remote.s32 $0x1  }
0xc4: {  	_ =	sfence.sel $0xFFFF  }
0xc5: {  	[dreg:$0x0] =	wrdreg $0xFFFFFFFF;
	(pc) =	sbr.abs _section_cstart, $3  }
0xc6: {  	[dreg:$0x1] =	wrdreg $0xFFFFFFFF  }
0xc7: {  	_ =	task.clear_ibuf [dreg:s7], $0x2FFFF;
	_ =	strace $0x9FFFFFFF  }
0xc8: {  	(tm) =	ssettm $0x7FFFFFFF  }
0xc9: {  	_ =	shalt  }
tec
execute0_lowered:
.L_overlay_start_1:
0x0: {  	(tag) =	ssettag $0x1  }
0x1: {  	s1 =	srdreg.scid  }
0x2: {  	s0 =	stileid.u32;
	s5 =	rddreg [dreg:$0x0]  }
0x3: {  	s6 =	rddreg [dreg:$0x1];
	s2 =	simm.s32 $0x0;
	s12 =	simm.s32 $0x7900  }
0x4: {  	s4 =	sand.u32 $0x1, s1;
	s13 =	sshll.u32 s0, $0x1;
	s1 =	rddreg [dreg:$0x2]  }
0x5: {  	[smem:$0x7FF] =	sst s2;
	s8 =	sshll.u32 s0, $0x3;
	s7 =	sor.u32 s4, s13  }
0x6: {  	_ =	strace $0x80000047;
	s8 =	sand.u32 $0x40, s8;
	s10 =	ssub.s32 $0x2, s4  }
0x7: {  	s4 =	sadd.s32 $0x7A5000, s6;
	s3 =	sand.u32 $0xF, s7;
	s7 =	smul.u32 $0x320, s7  }
0x8: {  	s13 =	simm.s32 $0x9900;
	s14 =	sshrl.u32 s10, $0x1;
	s9 =	smul.u32 $0xC8000, s3  }
0x9: {  	s3 =	sadd.s32 $0x1000, s6;
	s6 =	ssub.s32 s10, s14;
	s10 =	simm.s32 $0x3900  }
0xa: {  	s14 =	simm.s32 $0xB900;
	s5 =	sadd.s32 s5, s7;
	s8 =	sor.u32 s8, s9  }
0xb: {  	s6 =	smax.u32 s6, $0x1;
	s7 =	simm.s32 $0x3;
	s9 =	sadd.s32 $0x24000, s8  }
0xc: {  	s11 =	sadd.s32 $0x20000, s8;
	s16 =	sadd.s32 $0x1C000, s8;
	s18 =	sadd.s32 $0x18000, s8  }
0xd: {  	s20 =	sadd.s32 $0x14000, s8;
	s22 =	sadd.s32 $0x10000, s8;
	s31 =	sshrl.u32 s8, $0x3  }
0xe: {  	s24 =	sadd.s32 $0xC000, s8;
	s9 =	sshrl.u32 s9, $0x3;
	[dreg:$0xc] =	wrdreg s31  }
0xf: {  	s26 =	sadd.s32 $0x8000, s8;
	s15 =	sshrl.u32 s11, $0x3;
	[dreg:$0x3] =	wrdreg s9  }
0x10: {  	s29 =	sor.u32 $0x4000, s8;
	s17 =	sshrl.u32 s16, $0x3;
	[dreg:$0x4] =	wrdreg s15  }
0x11: {  	s8 =	simm.s32 $0x80;
	s19 =	sshrl.u32 s18, $0x3;
	[dreg:$0x5] =	wrdreg s17  }
0x12: {  	s21 =	sshrl.u32 s20, $0x3;
	s23 =	sshrl.u32 s22, $0x3;
	[dreg:$0x6] =	wrdreg s19  }
0x13: {  	s25 =	sshrl.u32 s24, $0x3;
	s28 =	sshrl.u32 s26, $0x3;
	[dreg:$0x7] =	wrdreg s21  }
0x14: {  	s30 =	sshrl.u32 s29, $0x3;
	s11 =	simm.s32 $0x5900;
	[dreg:$0x8] =	wrdreg s23  }
0x15: {  	s16 =	simm.s32 $0xF900;
	s18 =	simm.s32 $0x13900;
	[dreg:$0x9] =	wrdreg s25  }
0x16: {  	s20 =	simm.s32 $0x40;
	s22 =	simm.s32 $0x0;
	[dreg:$0xa] =	wrdreg s28  }
0x17: {  	[dreg:$0xb] =	wrdreg s30;
	s9 =	simm.s32 $0x1900;
	s15 =	simm.s32 $0xD900  }
0x18: {  	s17 =	simm.s32 $0x11900;
	s19 =	simm.s32 $0x1;
	s21 =	simm.s32 $0x2  }
.LBB2_1:
0x19: {  	[tilespmem:s2], [sflag:$0x3] =	stream.linear.gather [hbm4b:s5+s2], $0x1900, $0x38;
	[tilespmem:$0x15900] =	vst v63  }
0x1a: {  	_ =	swait.ge [sflag:s7], $0x1900  }
0x1b: {  	[sflag:s7] =	ssyncset.done $0x0  }
0x1c: {  	s23 =	simm.s32 $0x0;
	[sflag:s7] =	ssyncadd.s32 $0xFFFFE700  }
0x1d: {  	[tilespmem:s9], [sflag:$0x1] =	stream.indirect.gather [hbm4b:s3+s8], $0x40, s23, s8, $0xb8;
	[tilespmem:$0x15900] =	vst v63  }
0x1e: {  	s26 =	simm.s32 $0x80  }
0x1f: {  	[tilespmem:s10], [sflag:$0x1] =	stream.indirect.gather [hbm4b:s3+s8], $0x40, s26, s8, $0xb8;
	[tilespmem:$0x15900] =	vst v63  }
0x20: {  	s28 =	simm.s32 $0x100  }
0x21: {  	[tilespmem:s11], [sflag:$0x1] =	stream.indirect.gather [hbm4b:s3+s8], $0x40, s28, s8, $0xb8;
	[tilespmem:$0x15900] =	vst v63  }
0x22: {  	s29 =	simm.s32 $0x180  }
0x23: {  	[tilespmem:s12], [sflag:$0x1] =	stream.indirect.gather [hbm4b:s3+s8], $0x40, s29, s8, $0xb8;
	[tilespmem:$0x15900] =	vst v63  }
0x24: {  	s30 =	simm.s32 $0x200  }
0x25: {  	[tilespmem:s13], [sflag:$0x1] =	stream.indirect.gather [hbm4b:s3+s8], $0x40, s30, s8, $0xb8;
	[tilespmem:$0x15900] =	vst v63  }
0x26: {  	s31 =	simm.s32 $0x280  }
0x27: {  	[tilespmem:s14], [sflag:$0x1] =	stream.indirect.gather [hbm4b:s3+s8], $0x40, s31, s8, $0xb8;
	[tilespmem:$0x15900] =	vst v63  }
0x28: {  	s24 =	simm.s32 $0x300  }
0x29: {  	[tilespmem:s15], [sflag:$0x1] =	stream.indirect.gather [hbm4b:s3+s8], $0x40, s24, s8, $0xb8;
	[tilespmem:$0x15900] =	vst v63  }
0x2a: {  	s25 =	simm.s32 $0x380  }
0x2b: {  	[tilespmem:s16], [sflag:$0x1] =	stream.indirect.gather [hbm4b:s3+s8], $0x40, s25, s8, $0xb8;
	[tilespmem:$0x15900] =	vst v63  }
0x2c: {  	s26 =	simm.s32 $0x400  }
0x2d: {  	[tilespmem:s17], [sflag:$0x1] =	stream.indirect.gather [hbm4b:s3+s8], $0x40, s26, s8, $0xb8;
	[tilespmem:$0x15900] =	vst v63  }
0x2e: {  	s28 =	simm.s32 $0x480  }
0x2f: {  	[tilespmem:s18], [sflag:$0x1] =	stream.indirect.gather [hbm4b:s3+s8], $0x40, s28, s8, $0xb8;
	[tilespmem:$0x15900] =	vst v63  }
0x30: {  	_ =	swait.ge [sflag:s19], $0x2000  }
0x31: {  	s29 =	rddreg [dreg:$0xc];
	[sflag:s19] =	ssyncset.done $0x0  }
0x32: {  	[sflag:s19] =	ssyncadd.s32 $0xFFFFE000;
	s23 =	sadd.s32 s4, s29  }
0x33: {  	[hbm4b:s23+s20] =	stream.strided.scatter [tilespmem:s9], [sflag:$0x2], $0x2000, s8, s20, $0x38;
	[tilespmem:$0x15900] =	vst v63  }
0x34: {  	_ =	swait.ge [sflag:s19], $0x2000  }
0x35: {  	s30 =	rddreg [dreg:$0xb];
	[sflag:s19] =	ssyncset.done $0x0  }
0x36: {  	[sflag:s19] =	ssyncadd.s32 $0xFFFFE000;
	s23 =	sadd.s32 s4, s30  }
0x37: {  	[hbm4b:s23+s20] =	stream.strided.scatter [tilespmem:s10], [sflag:$0x2], $0x2000, s8, s20, $0x38;
	[tilespmem:$0x15900] =	vst v63  }
0x38: {  	_ =	swait.ge [sflag:s19], $0x2000  }
0x39: {  	s31 =	rddreg [dreg:$0xa];
	[sflag:s19] =	ssyncset.done $0x0  }
0x3a: {  	[sflag:s19] =	ssyncadd.s32 $0xFFFFE000;
	s23 =	sadd.s32 s4, s31  }
0x3b: {  	[hbm4b:s23+s20] =	stream.strided.scatter [tilespmem:s11], [sflag:$0x2], $0x2000, s8, s20, $0x38;
	[tilespmem:$0x15900] =	vst v63  }
0x3c: {  	_ =	swait.ge [sflag:s19], $0x2000  }
0x3d: {  	s24 =	rddreg [dreg:$0x9];
	[sflag:s19] =	ssyncset.done $0x0  }
0x3e: {  	[sflag:s19] =	ssyncadd.s32 $0xFFFFE000;
	s23 =	sadd.s32 s4, s24  }
0x3f: {  	[hbm4b:s23+s20] =	stream.strided.scatter [tilespmem:s12], [sflag:$0x2], $0x2000, s8, s20, $0x38;
	[tilespmem:$0x15900] =	vst v63  }
0x40: {  	_ =	swait.ge [sflag:s19], $0x2000  }
0x41: {  	s25 =	rddreg [dreg:$0x8];
	[sflag:s19] =	ssyncset.done $0x0  }
0x42: {  	[sflag:s19] =	ssyncadd.s32 $0xFFFFE000;
	s23 =	sadd.s32 s4, s25  }
0x43: {  	[hbm4b:s23+s20] =	stream.strided.scatter [tilespmem:s13], [sflag:$0x2], $0x2000, s8, s20, $0x38;
	[tilespmem:$0x15900] =	vst v63  }
0x44: {  	_ =	swait.ge [sflag:s19], $0x2000  }
0x45: {  	s26 =	rddreg [dreg:$0x7];
	[sflag:s19] =	ssyncset.done $0x0  }
0x46: {  	[sflag:s19] =	ssyncadd.s32 $0xFFFFE000;
	s23 =	sadd.s32 s4, s26  }
0x47: {  	[hbm4b:s23+s20] =	stream.strided.scatter [tilespmem:s14], [sflag:$0x2], $0x2000, s8, s20, $0x38;
	[tilespmem:$0x15900] =	vst v63  }
0x48: {  	_ =	swait.ge [sflag:s19], $0x2000  }
0x49: {  	s28 =	rddreg [dreg:$0x6];
	[sflag:s19] =	ssyncset.done $0x0  }
0x4a: {  	[sflag:s19] =	ssyncadd.s32 $0xFFFFE000;
	s23 =	sadd.s32 s4, s28  }
0x4b: {  	[hbm4b:s23+s20] =	stream.strided.scatter [tilespmem:s15], [sflag:$0x2], $0x2000, s8, s20, $0x38;
	[tilespmem:$0x15900] =	vst v63  }
0x4c: {  	_ =	swait.ge [sflag:s19], $0x2000  }
0x4d: {  	s29 =	rddreg [dreg:$0x5];
	[sflag:s19] =	ssyncset.done $0x0  }
0x4e: {  	[sflag:s19] =	ssyncadd.s32 $0xFFFFE000;
	s23 =	sadd.s32 s4, s29  }
0x4f: {  	[hbm4b:s23+s20] =	stream.strided.scatter [tilespmem:s16], [sflag:$0x2], $0x2000, s8, s20, $0x38;
	[tilespmem:$0x15900] =	vst v63  }
0x50: {  	_ =	swait.ge [sflag:s19], $0x2000  }
0x51: {  	s30 =	rddreg [dreg:$0x4];
	[sflag:s19] =	ssyncset.done $0x0  }
0x52: {  	[sflag:s19] =	ssyncadd.s32 $0xFFFFE000;
	s23 =	sadd.s32 s4, s30  }
0x53: {  	[hbm4b:s23+s20] =	stream.strided.scatter [tilespmem:s17], [sflag:$0x2], $0x2000, s8, s20, $0x38;
	[tilespmem:$0x15900] =	vst v63  }
0x54: {  	_ =	swait.ge [sflag:s19], $0x2000  }
0x55: {  	s31 =	rddreg [dreg:$0x3];
	[sflag:s19] =	ssyncset.done $0x0  }
0x56: {  	[sflag:s19] =	ssyncadd.s32 $0xFFFFE000;
	s23 =	sadd.s32 s4, s31  }
0x57: {  	[hbm4b:s23+s20] =	stream.strided.scatter [tilespmem:s18], [sflag:$0x2], $0x2000, s8, s20, $0x38;
	[tilespmem:$0x15900] =	vst v63  }
0x58: {  	_ =	swait.ge [sflag:s21], $0x2000  }
0x59: {  	[sflag:s21] =	ssyncset.done $0x0  }
0x5a: {  	[sflag:s21] =	ssyncadd.s32 $0xFFFFE000  }
0x5b: {  	_ =	swait.ge [sflag:s21], $0x2000  }
0x5c: {  	[sflag:s21] =	ssyncset.done $0x0  }
0x5d: {  	[sflag:s21] =	ssyncadd.s32 $0xFFFFE000  }
0x5e: {  	_ =	swait.ge [sflag:s21], $0x2000  }
0x5f: {  	[sflag:s21] =	ssyncset.done $0x0  }
0x60: {  	[sflag:s21] =	ssyncadd.s32 $0xFFFFE000  }
0x61: {  	_ =	swait.ge [sflag:s21], $0x2000  }
0x62: {  	[sflag:s21] =	ssyncset.done $0x0  }
0x63: {  	[sflag:s21] =	ssyncadd.s32 $0xFFFFE000  }
0x64: {  	_ =	swait.ge [sflag:s21], $0x2000  }
0x65: {  	[sflag:s21] =	ssyncset.done $0x0  }
0x66: {  	[sflag:s21] =	ssyncadd.s32 $0xFFFFE000  }
0x67: {  	_ =	swait.ge [sflag:s21], $0x2000  }
0x68: {  	[sflag:s21] =	ssyncset.done $0x0  }
0x69: {  	[sflag:s21] =	ssyncadd.s32 $0xFFFFE000  }
0x6a: {  	_ =	swait.ge [sflag:s21], $0x2000  }
0x6b: {  	[sflag:s21] =	ssyncset.done $0x0  }
0x6c: {  	[sflag:s21] =	ssyncadd.s32 $0xFFFFE000  }
0x6d: {  	_ =	swait.ge [sflag:s21], $0x2000  }
0x6e: {  	[sflag:s21] =	ssyncset.done $0x0  }
0x6f: {  	[sflag:s21] =	ssyncadd.s32 $0xFFFFE000  }
0x70: {  	_ =	swait.ge [sflag:s21], $0x2000  }
0x71: {  	[sflag:s21] =	ssyncset.done $0x0  }
0x72: {  	[sflag:s21] =	ssyncadd.s32 $0xFFFFE000  }
0x73: {  	s24 =	simm.s32 $0x1400;
	_ =	swait.ge [sflag:s21], $0x2000  }
0x74: {  	s26 =	simm.s32 $0x2800;
	s23 =	sadd.s32 $0x5000, s4;
	[sflag:s21] =	ssyncset.done $0x0  }
.LBB2_2:
0x75: {  	s28 =	sshra.s32 s24, $0x2;
	[sflag:s21] =	ssyncadd.s32 $0xFFFFE000  }
0x76: {  	[tilespmem:s9], [sflag:$0x1] =	stream.indirect.gather [hbm4b:s3+s8], $0x40, s28, s8, $0xb8;
	[tilespmem:$0x15900] =	vst v63  }
0x77: {  	s30 =	sadd.s32 $0x80, s28  }
0x78: {  	[tilespmem:s10], [sflag:$0x1] =	stream.indirect.gather [hbm4b:s3+s8], $0x40, s30, s8, $0xb8;
	[tilespmem:$0x15900] =	vst v63  }
0x79: {  	s31 =	sadd.s32 $0x100, s28  }
0x7a: {  	[tilespmem:s11], [sflag:$0x1] =	stream.indirect.gather [hbm4b:s3+s8], $0x40, s31, s8, $0xb8;
	[tilespmem:$0x15900] =	vst v63  }
0x7b: {  	s29 =	sadd.s32 $0x180, s28  }
0x7c: {  	[tilespmem:s12], [sflag:$0x1] =	stream.indirect.gather [hbm4b:s3+s8], $0x40, s29, s8, $0xb8;
	[tilespmem:$0x15900] =	vst v63  }
0x7d: {  	s30 =	sadd.s32 $0x200, s28  }
0x7e: {  	[tilespmem:s13], [sflag:$0x1] =	stream.indirect.gather [hbm4b:s3+s8], $0x40, s30, s8, $0xb8;
	[tilespmem:$0x15900] =	vst v63  }
0x7f: {  	s31 =	sadd.s32 $0x280, s28  }
0x80: {  	[tilespmem:s14], [sflag:$0x1] =	stream.indirect.gather [hbm4b:s3+s8], $0x40, s31, s8, $0xb8;
	[tilespmem:$0x15900] =	vst v63  }
0x81: {  	s29 =	sadd.s32 $0x300, s28  }
0x82: {  	[tilespmem:s15], [sflag:$0x1] =	stream.indirect.gather [hbm4b:s3+s8], $0x40, s29, s8, $0xb8;
	[tilespmem:$0x15900] =	vst v63  }
0x83: {  	s30 =	sadd.s32 $0x380, s28  }
0x84: {  	[tilespmem:s16], [sflag:$0x1] =	stream.indirect.gather [hbm4b:s3+s8], $0x40, s30, s8, $0xb8;
	[tilespmem:$0x15900] =	vst v63  }
0x85: {  	s31 =	sadd.s32 $0x400, s28  }
0x86: {  	[tilespmem:s17], [sflag:$0x1] =	stream.indirect.gather [hbm4b:s3+s8], $0x40, s31, s8, $0xb8;
	[tilespmem:$0x15900] =	vst v63  }
0x87: {  	s29 =	sadd.s32 $0x480, s28  }
0x88: {  	[tilespmem:s18], [sflag:$0x1] =	stream.indirect.gather [hbm4b:s3+s8], $0x40, s29, s8, $0xb8;
	[tilespmem:$0x15900] =	vst v63  }
0x89: {  	s24 =	smov.u32 s26;
	_ =	swait.ge [sflag:s19], $0x2000  }
0x8a: {  	s25 =	sadd.s32 $0x1400, s26;
	s30 =	rddreg [dreg:$0xc];
	[sflag:s19] =	ssyncset.done $0x0  }
0x8b: {  	p0 =	sne.s32 s26, $0x5000;
	[sflag:s19] =	ssyncadd.s32 $0xFFFFE000;
	s26 =	sadd.s32 s23, s30  }
0x8c: {  	[hbm4b:s26+s20] =	stream.strided.scatter [tilespmem:s9], [sflag:$0x2], $0x2000, s8, s20, $0x38;
	[tilespmem:$0x15900] =	vst v63  }
0x8d: {  	_ =	swait.ge [sflag:s19], $0x2000  }
0x8e: {  	s31 =	rddreg [dreg:$0xb];
	[sflag:s19] =	ssyncset.done $0x0  }
0x8f: {  	[sflag:s19] =	ssyncadd.s32 $0xFFFFE000;
	s26 =	sadd.s32 s23, s31  }
0x90: {  	[hbm4b:s26+s20] =	stream.strided.scatter [tilespmem:s10], [sflag:$0x2], $0x2000, s8, s20, $0x38;
	[tilespmem:$0x15900] =	vst v63  }
0x91: {  	_ =	swait.ge [sflag:s19], $0x2000  }
0x92: {  	s28 =	rddreg [dreg:$0xa];
	[sflag:s19] =	ssyncset.done $0x0  }
0x93: {  	[sflag:s19] =	ssyncadd.s32 $0xFFFFE000;
	s26 =	sadd.s32 s23, s28  }
0x94: {  	[hbm4b:s26+s20] =	stream.strided.scatter [tilespmem:s11], [sflag:$0x2], $0x2000, s8, s20, $0x38;
	[tilespmem:$0x15900] =	vst v63  }
0x95: {  	_ =	swait.ge [sflag:s19], $0x2000  }
0x96: {  	s29 =	rddreg [dreg:$0x9];
	[sflag:s19] =	ssyncset.done $0x0  }
0x97: {  	[sflag:s19] =	ssyncadd.s32 $0xFFFFE000;
	s26 =	sadd.s32 s23, s29  }
0x98: {  	[hbm4b:s26+s20] =	stream.strided.scatter [tilespmem:s12], [sflag:$0x2], $0x2000, s8, s20, $0x38;
	[tilespmem:$0x15900] =	vst v63  }
0x99: {  	_ =	swait.ge [sflag:s19], $0x2000  }
0x9a: {  	s30 =	rddreg [dreg:$0x8];
	[sflag:s19] =	ssyncset.done $0x0  }
0x9b: {  	[sflag:s19] =	ssyncadd.s32 $0xFFFFE000;
	s26 =	sadd.s32 s23, s30  }
0x9c: {  	[hbm4b:s26+s20] =	stream.strided.scatter [tilespmem:s13], [sflag:$0x2], $0x2000, s8, s20, $0x38;
	[tilespmem:$0x15900] =	vst v63  }
0x9d: {  	_ =	swait.ge [sflag:s19], $0x2000  }
0x9e: {  	s31 =	rddreg [dreg:$0x7];
	[sflag:s19] =	ssyncset.done $0x0  }
0x9f: {  	[sflag:s19] =	ssyncadd.s32 $0xFFFFE000;
	s26 =	sadd.s32 s23, s31  }
0xa0: {  	[hbm4b:s26+s20] =	stream.strided.scatter [tilespmem:s14], [sflag:$0x2], $0x2000, s8, s20, $0x38;
	[tilespmem:$0x15900] =	vst v63  }
0xa1: {  	_ =	swait.ge [sflag:s19], $0x2000  }
0xa2: {  	s28 =	rddreg [dreg:$0x6];
	[sflag:s19] =	ssyncset.done $0x0  }
0xa3: {  	[sflag:s19] =	ssyncadd.s32 $0xFFFFE000;
	s26 =	sadd.s32 s23, s28  }
0xa4: {  	[hbm4b:s26+s20] =	stream.strided.scatter [tilespmem:s15], [sflag:$0x2], $0x2000, s8, s20, $0x38;
	[tilespmem:$0x15900] =	vst v63  }
0xa5: {  	_ =	swait.ge [sflag:s19], $0x2000  }
0xa6: {  	s29 =	rddreg [dreg:$0x5];
	[sflag:s19] =	ssyncset.done $0x0  }
0xa7: {  	[sflag:s19] =	ssyncadd.s32 $0xFFFFE000;
	s26 =	sadd.s32 s23, s29  }
0xa8: {  	[hbm4b:s26+s20] =	stream.strided.scatter [tilespmem:s16], [sflag:$0x2], $0x2000, s8, s20, $0x38;
	[tilespmem:$0x15900] =	vst v63  }
0xa9: {  	_ =	swait.ge [sflag:s19], $0x2000  }
0xaa: {  	s30 =	rddreg [dreg:$0x4];
	[sflag:s19] =	ssyncset.done $0x0  }
0xab: {  	[sflag:s19] =	ssyncadd.s32 $0xFFFFE000;
	s26 =	sadd.s32 s23, s30  }
0xac: {  	[hbm4b:s26+s20] =	stream.strided.scatter [tilespmem:s17], [sflag:$0x2], $0x2000, s8, s20, $0x38;
	[tilespmem:$0x15900] =	vst v63  }
0xad: {  	_ =	swait.ge [sflag:s19], $0x2000  }
0xae: {  	s31 =	rddreg [dreg:$0x3];
	[sflag:s19] =	ssyncset.done $0x0  }
0xaf: {  	[sflag:s19] =	ssyncadd.s32 $0xFFFFE000;
	s26 =	sadd.s32 s23, s31  }
0xb0: {  	[hbm4b:s26+s20] =	stream.strided.scatter [tilespmem:s18], [sflag:$0x2], $0x2000, s8, s20, $0x38;
	[tilespmem:$0x15900] =	vst v63  }
0xb1: {  	_ =	swait.ge [sflag:s21], $0x2000  }
0xb2: {  	[sflag:s21] =	ssyncset.done $0x0  }
0xb3: {  	[sflag:s21] =	ssyncadd.s32 $0xFFFFE000  }
0xb4: {  	_ =	swait.ge [sflag:s21], $0x2000  }
0xb5: {  	[sflag:s21] =	ssyncset.done $0x0  }
0xb6: {  	[sflag:s21] =	ssyncadd.s32 $0xFFFFE000  }
0xb7: {  	_ =	swait.ge [sflag:s21], $0x2000  }
0xb8: {  	[sflag:s21] =	ssyncset.done $0x0  }
0xb9: {  	[sflag:s21] =	ssyncadd.s32 $0xFFFFE000  }
0xba: {  	_ =	swait.ge [sflag:s21], $0x2000  }
0xbb: {  	[sflag:s21] =	ssyncset.done $0x0  }
0xbc: {  	[sflag:s21] =	ssyncadd.s32 $0xFFFFE000  }
0xbd: {  	_ =	swait.ge [sflag:s21], $0x2000  }
0xbe: {  	[sflag:s21] =	ssyncset.done $0x0  }
0xbf: {  	[sflag:s21] =	ssyncadd.s32 $0xFFFFE000  }
0xc0: {  	_ =	swait.ge [sflag:s21], $0x2000  }
0xc1: {  	[sflag:s21] =	ssyncset.done $0x0  }
0xc2: {  	[sflag:s21] =	ssyncadd.s32 $0xFFFFE000  }
0xc3: {  	_ =	swait.ge [sflag:s21], $0x2000  }
0xc4: {  	[sflag:s21] =	ssyncset.done $0x0  }
0xc5: {  	[sflag:s21] =	ssyncadd.s32 $0xFFFFE000  }
0xc6: {  	_ =	swait.ge [sflag:s21], $0x2000  }
0xc7: {  	[sflag:s21] =	ssyncset.done $0x0  }
0xc8: {  	[sflag:s21] =	ssyncadd.s32 $0xFFFFE000  }
.Ltmp0:
0xc9: {  	_ =	swait.ge [sflag:s21], $0x2000;
	(pc) =	sbr.rel @p0 .LBB2_2-.Ltmp0, $4  }
0xca: {  	[sflag:s21] =	ssyncset.done $0x0  }
0xcb: {  	[sflag:s21] =	ssyncadd.s32 $0xFFFFE000  }
0xcc: {  	_ =	swait.ge [sflag:s21], $0x2000  }
0xcd: {  	s23 =	sadd.s32 $0x5000, s23;
	s26 =	smov.u32 s25;
	[sflag:s21] =	ssyncset.done $0x0  }
0xce: {  	s24 =	sshra.s32 s24, $0x2;
	[sflag:s21] =	ssyncadd.s32 $0xFFFFE000  }
0xcf: {  	[tilespmem:s9], [sflag:$0x1] =	stream.indirect.gather [hbm4b:s3+s8], $0x40, s24, s8, $0xb8;
	[tilespmem:$0x15900] =	vst v63  }
0xd0: {  	s25 =	sadd.s32 $0x80, s24  }
0xd1: {  	[tilespmem:s10], [sflag:$0x1] =	stream.indirect.gather [hbm4b:s3+s8], $0x40, s25, s8, $0xb8;
	[tilespmem:$0x15900] =	vst v63  }
0xd2: {  	s30 =	sadd.s32 $0x100, s24  }
0xd3: {  	[tilespmem:s11], [sflag:$0x1] =	stream.indirect.gather [hbm4b:s3+s8], $0x40, s30, s8, $0xb8;
	[tilespmem:$0x15900] =	vst v63  }
0xd4: {  	s31 =	sadd.s32 $0x180, s24  }
0xd5: {  	[tilespmem:s12], [sflag:$0x1] =	stream.indirect.gather [hbm4b:s3+s8], $0x40, s31, s8, $0xb8;
	[tilespmem:$0x15900] =	vst v63  }
0xd6: {  	s26 =	sadd.s32 $0x200, s24  }
0xd7: {  	[tilespmem:s13], [sflag:$0x1] =	stream.indirect.gather [hbm4b:s3+s8], $0x40, s26, s8, $0xb8;
	[tilespmem:$0x15900] =	vst v63  }
0xd8: {  	s28 =	sadd.s32 $0x280, s24  }
0xd9: {  	[tilespmem:s14], [sflag:$0x1] =	stream.indirect.gather [hbm4b:s3+s8], $0x40, s28, s8, $0xb8;
	[tilespmem:$0x15900] =	vst v63  }
0xda: {  	s29 =	sadd.s32 $0x300, s24  }
0xdb: {  	[tilespmem:s15], [sflag:$0x1] =	stream.indirect.gather [hbm4b:s3+s8], $0x40, s29, s8, $0xb8;
	[tilespmem:$0x15900] =	vst v63  }
0xdc: {  	s30 =	sadd.s32 $0x380, s24  }
0xdd: {  	[tilespmem:s16], [sflag:$0x1] =	stream.indirect.gather [hbm4b:s3+s8], $0x40, s30, s8, $0xb8;
	[tilespmem:$0x15900] =	vst v63  }
0xde: {  	s31 =	sadd.s32 $0x400, s24  }
0xdf: {  	[tilespmem:s17], [sflag:$0x1] =	stream.indirect.gather [hbm4b:s3+s8], $0x40, s31, s8, $0xb8;
	[tilespmem:$0x15900] =	vst v63  }
0xe0: {  	s24 =	sadd.s32 $0x480, s24  }
0xe1: {  	[tilespmem:s18], [sflag:$0x1] =	stream.indirect.gather [hbm4b:s3+s8], $0x40, s24, s8, $0xb8;
	[tilespmem:$0x15900] =	vst v63  }
0xe2: {  	_ =	swait.ge [sflag:s19], $0x2000  }
0xe3: {  	s26 =	rddreg [dreg:$0xc];
	[sflag:s19] =	ssyncset.done $0x0  }
0xe4: {  	[sflag:s19] =	ssyncadd.s32 $0xFFFFE000;
	s24 =	sadd.s32 s23, s26  }
0xe5: {  	[hbm4b:s24+s20] =	stream.strided.scatter [tilespmem:s9], [sflag:$0x2], $0x2000, s8, s20, $0x38;
	[tilespmem:$0x15900] =	vst v63  }
0xe6: {  	_ =	swait.ge [sflag:s19], $0x2000  }
0xe7: {  	s28 =	rddreg [dreg:$0xb];
	[sflag:s19] =	ssyncset.done $0x0  }
0xe8: {  	[sflag:s19] =	ssyncadd.s32 $0xFFFFE000;
	s24 =	sadd.s32 s23, s28  }
0xe9: {  	[hbm4b:s24+s20] =	stream.strided.scatter [tilespmem:s10], [sflag:$0x2], $0x2000, s8, s20, $0x38;
	[tilespmem:$0x15900] =	vst v63  }
0xea: {  	_ =	swait.ge [sflag:s19], $0x2000  }
0xeb: {  	s29 =	rddreg [dreg:$0xa];
	[sflag:s19] =	ssyncset.done $0x0  }
0xec: {  	[sflag:s19] =	ssyncadd.s32 $0xFFFFE000;
	s24 =	sadd.s32 s23, s29  }
0xed: {  	[hbm4b:s24+s20] =	stream.strided.scatter [tilespmem:s11], [sflag:$0x2], $0x2000, s8, s20, $0x38;
	[tilespmem:$0x15900] =	vst v63  }
0xee: {  	_ =	swait.ge [sflag:s19], $0x2000  }
0xef: {  	s30 =	rddreg [dreg:$0x9];
	[sflag:s19] =	ssyncset.done $0x0  }
0xf0: {  	[sflag:s19] =	ssyncadd.s32 $0xFFFFE000;
	s24 =	sadd.s32 s23, s30  }
0xf1: {  	[hbm4b:s24+s20] =	stream.strided.scatter [tilespmem:s12], [sflag:$0x2], $0x2000, s8, s20, $0x38;
	[tilespmem:$0x15900] =	vst v63  }
0xf2: {  	_ =	swait.ge [sflag:s19], $0x2000  }
0xf3: {  	s31 =	rddreg [dreg:$0x8];
	[sflag:s19] =	ssyncset.done $0x0  }
0xf4: {  	[sflag:s19] =	ssyncadd.s32 $0xFFFFE000;
	s24 =	sadd.s32 s23, s31  }
0xf5: {  	[hbm4b:s24+s20] =	stream.strided.scatter [tilespmem:s13], [sflag:$0x2], $0x2000, s8, s20, $0x38;
	[tilespmem:$0x15900] =	vst v63  }
0xf6: {  	_ =	swait.ge [sflag:s19], $0x2000  }
0xf7: {  	s25 =	rddreg [dreg:$0x7];
	[sflag:s19] =	ssyncset.done $0x0  }
0xf8: {  	[sflag:s19] =	ssyncadd.s32 $0xFFFFE000;
	s24 =	sadd.s32 s23, s25  }
0xf9: {  	[hbm4b:s24+s20] =	stream.strided.scatter [tilespmem:s14], [sflag:$0x2], $0x2000, s8, s20, $0x38;
	[tilespmem:$0x15900] =	vst v63  }
0xfa: {  	_ =	swait.ge [sflag:s19], $0x2000  }
0xfb: {  	s26 =	rddreg [dreg:$0x6];
	[sflag:s19] =	ssyncset.done $0x0  }
0xfc: {  	[sflag:s19] =	ssyncadd.s32 $0xFFFFE000;
	s24 =	sadd.s32 s23, s26  }
0xfd: {  	[hbm4b:s24+s20] =	stream.strided.scatter [tilespmem:s15], [sflag:$0x2], $0x2000, s8, s20, $0x38;
	[tilespmem:$0x15900] =	vst v63  }
0xfe: {  	_ =	swait.ge [sflag:s19], $0x2000  }
0xff: {  	s28 =	rddreg [dreg:$0x5];
	[sflag:s19] =	ssyncset.done $0x0  }
0x100: {  	[sflag:s19] =	ssyncadd.s32 $0xFFFFE000;
	s24 =	sadd.s32 s23, s28  }
0x101: {  	[hbm4b:s24+s20] =	stream.strided.scatter [tilespmem:s16], [sflag:$0x2], $0x2000, s8, s20, $0x38;
	[tilespmem:$0x15900] =	vst v63  }
0x102: {  	_ =	swait.ge [sflag:s19], $0x2000  }
0x103: {  	s29 =	rddreg [dreg:$0x4];
	[sflag:s19] =	ssyncset.done $0x0  }
0x104: {  	[sflag:s19] =	ssyncadd.s32 $0xFFFFE000;
	s24 =	sadd.s32 s23, s29  }
0x105: {  	[hbm4b:s24+s20] =	stream.strided.scatter [tilespmem:s17], [sflag:$0x2], $0x2000, s8, s20, $0x38;
	[tilespmem:$0x15900] =	vst v63  }
0x106: {  	_ =	swait.ge [sflag:s19], $0x2000  }
0x107: {  	s30 =	rddreg [dreg:$0x3];
	[sflag:s19] =	ssyncset.done $0x0  }
0x108: {  	[sflag:s19] =	ssyncadd.s32 $0xFFFFE000;
	s31 =	sadd.s32 s23, s30  }
0x109: {  	[hbm4b:s31+s20] =	stream.strided.scatter [tilespmem:s18], [sflag:$0x2], $0x2000, s8, s20, $0x38;
	[tilespmem:$0x15900] =	vst v63  }
0x10a: {  	_ =	swait.ge [sflag:s21], $0x2000  }
0x10b: {  	[sflag:s21] =	ssyncset.done $0x0  }
0x10c: {  	[sflag:s21] =	ssyncadd.s32 $0xFFFFE000  }
0x10d: {  	_ =	swait.ge [sflag:s21], $0x2000  }
0x10e: {  	[sflag:s21] =	ssyncset.done $0x0  }
0x10f: {  	[sflag:s21] =	ssyncadd.s32 $0xFFFFE000  }
0x110: {  	_ =	swait.ge [sflag:s21], $0x2000  }
0x111: {  	[sflag:s21] =	ssyncset.done $0x0  }
0x112: {  	[sflag:s21] =	ssyncadd.s32 $0xFFFFE000  }
0x113: {  	_ =	swait.ge [sflag:s21], $0x2000  }
0x114: {  	[sflag:s21] =	ssyncset.done $0x0  }
0x115: {  	[sflag:s21] =	ssyncadd.s32 $0xFFFFE000  }
0x116: {  	_ =	swait.ge [sflag:s21], $0x2000  }
0x117: {  	[sflag:s21] =	ssyncset.done $0x0  }
0x118: {  	[sflag:s21] =	ssyncadd.s32 $0xFFFFE000  }
0x119: {  	_ =	swait.ge [sflag:s21], $0x2000  }
0x11a: {  	[sflag:s21] =	ssyncset.done $0x0  }
0x11b: {  	[sflag:s21] =	ssyncadd.s32 $0xFFFFE000  }
0x11c: {  	_ =	swait.ge [sflag:s21], $0x2000  }
0x11d: {  	[sflag:s21] =	ssyncset.done $0x0  }
0x11e: {  	[sflag:s21] =	ssyncadd.s32 $0xFFFFE000  }
0x11f: {  	_ =	swait.ge [sflag:s21], $0x2000  }
0x120: {  	[sflag:s21] =	ssyncset.done $0x0  }
0x121: {  	s22 =	sadd.s32 $0x1, s22;
	[sflag:s21] =	ssyncadd.s32 $0xFFFFE000  }
0x122: {  	p0 =	sne.s32 s22, s6;
	_ =	swait.ge [sflag:s21], $0x2000  }
.Ltmp1:
0x123: {  	[sflag:s21] =	ssyncset.done $0x0;
	(pc) =	sbr.rel @p0 .LBB2_1-.Ltmp1, $4  }
0x124: {  	[sflag:s21] =	ssyncadd.s32 $0xFFFFE000  }
0x125: {  	_ =	swait.ge [sflag:s21], $0x2000  }
0x126: {  	[sflag:s21] =	ssyncset.done $0x0  }
0x127: {  	[sflag:s21] =	ssyncadd.s32 $0xFFFFE000  }
0x128: {  	_ =	sfence.sel $0x180000  }
0x129: {  	[bflag:$0x0] =	sbarrier.arrive $0xFFFF  }
0x12a: {  	p0 =	sne.s32 s0, $0x0;
	_ =	strace $0x90000047  }
0x12b: {  	s0 =	sadd.s32 @!p0 $0x100000, s1;
	[bflag:$0x2] =	sbarrier.arrive $0xFFFF  }
0x12c: {  	[sflag:s0] =	ssyncadd.tile.s32 @!p0 $0x1;
	_ =	shalt  }
.Lfunc_end2:
_tile_overlayer_lowered:
.L_overlay_start_2:
0x12d: {  	(tag) =	ssettag $0x2  }
0x12e: {  	s0 =	rddreg [dreg:$0x0];
	s2 =	stileid.u32  }
0x12f: {  	s1 =	rddreg [dreg:$0x1];
	p0 =	sne.s32 s2, $0x0  }
0x130: {  	s3 =	rddreg [dreg:$0x2];
	[bflag:$0x3] =	sbarrier.arrive $0xFFFF;
	s2 =	simm.s32 @!p0 $0x1C03  }
0x131: {  	[timem:s3], [sflag:s2] =	dma.local @!p0 [hbm:s0], s1  }
0x132: {  	s0 =	simm.s32 @!p0 $0x3  }
0x133: {  	_ =	swait.ge @!p0 [sflag:s0], s1  }
0x134: {  	s1 =	ssub.s32 @!p0 $0x0, s1;
	[sflag:s0] =	ssyncset.done @!p0 $0x0  }
0x135: {  	[sflag:s0] =	ssyncadd.s32 @!p0 s1  }
0x136: {  	[bflag:$0x3] =	sbarrier.arrive $0xFFFF  }
0x137: {  	_ =	shalt  }

</sc_bundles>
